<compile_context>
chip_gen: v7x
topology: tpu7x:2x2x1
jax: 0.10.2.dev20260603
libtpu: 0.0.44.dev20260713+nightly
codegen_flags: <defaults>
</compile_context>

<pallas_src>
import jax
import jax.numpy as jnp
from jax import lax
from jax.experimental import pallas as pl
from jax.experimental.pallas import tpu as pltpu
from jax.experimental.pallas import tpu_sc as plsc

VOCAB = 30522
HID = 768
PROMPT = 20
B = 32
S = 512
EPS = 1e-12
NW = 32
SW = S // NW
NBUF = 4
CHUNKS = (16, 16)
PBLK = 32


def _make_sc_body(cb):
    def _sc_gather_body(ids_hbm, word_hbm, out_hbm, idx_v, b0, b1, b2, b3,
                        g0, g1, g2, g3, w0, w1, w2, w3):
        buf = (b0, b1, b2, b3)
        gsem = (g0, g1, g2, g3)
        wsem = (w0, w1, w2, w3)

        cid = lax.axis_index("c")
        sid = lax.axis_index("s")
        wid = sid * 2 + cid
        s0 = wid * SW

        pltpu.sync_copy(ids_hbm.at[pl.ds(wid * (cb * SW), cb * SW)], idx_v)

        def _gather(b, k):
            return pltpu.make_async_copy(
                word_hbm.at[idx_v.at[pl.ds(b * SW, SW)]], buf[k], gsem[k])

        def _write(b, k):
            return pltpu.make_async_copy(
                buf[k], out_hbm.at[b, pl.ds(s0, SW)], wsem[k])

        _gather(0, 0).start()
        _gather(1, 1).start()

        def _quad(g, c):
            for k in range(NBUF):
                b = g * NBUF + k
                _gather(b, k).wait()
                _write(b, k).start()

                kk = (k + 2) % NBUF

                @pl.when(b + 2 < cb)
                def _():
                    @pl.when(b >= 2)
                    def _():
                        _write(b - 2, kk).wait()
                    _gather(b + 2, kk).start()
            return c
        lax.fori_loop(0, cb // NBUF, _quad, 0)

        for b in range(cb - NBUF, cb):
            _write(b, b % NBUF).wait()
    return _sc_gather_body


def _make_tc_body(aliased):
    def _tc_ln_body(*refs):
        if aliased:
            _, inter_ref, pos_ref, pshift_ref, gamma_ref, beta_ref, out_ref = refs
        else:
            inter_ref, pos_ref, pshift_ref, gamma_ref, beta_ref, out_ref = refs
        x = inter_ref[0]
        row = lax.broadcasted_iota(jnp.int32, (PBLK, 1), 0)
        pmask = jnp.logical_and(row >= 1, row < 1 + PROMPT)
        head = jnp.where(pmask, pshift_ref[...], x[0:PBLK])
        x = jnp.concatenate([head, x[PBLK:]], axis=0)
        x = x + pos_ref[...]
        mean = jnp.mean(x, axis=-1, keepdims=True)
        xc = x - mean
        var = jnp.mean(xc * xc, axis=-1, keepdims=True)
        y = xc * lax.rsqrt(var + EPS)
        out_ref[0] = y * gamma_ref[...][None, :] + beta_ref[...][None, :]
    return _tc_ln_body


def kernel(input_ids, word_emb, pos_emb, type_emb, prompt_emb, gamma, beta):
    ids_r = input_ids.reshape(B, NW, SW).transpose(1, 0, 2)

    mesh = plsc.VectorSubcoreMesh(core_axis_name="c", subcore_axis_name="s")
    inters = []
    off = 0
    for cb in CHUNKS:
        sc_gather = pl.kernel(
            _make_sc_body(cb),
            out_type=jax.ShapeDtypeStruct((cb, S, HID), jnp.float32),
            mesh=mesh,
            scratch_types=(
                [pltpu.VMEM((cb * SW,), jnp.int32)]
                + [pltpu.VMEM((SW, HID), jnp.float32)] * NBUF
                + [pltpu.SemaphoreType.DMA] * (2 * NBUF)
            ),
        )
        inters.append(sc_gather(
            ids_r[:, off:off + cb].reshape(NW * cb * SW), word_emb))
        off += cb

    pos2 = pos_emb + type_emb[0][None, :]
    pshift = jnp.zeros((PBLK, HID), jnp.float32).at[1:1 + PROMPT].set(
        prompt_emb)

    data_specs = [
        pl.BlockSpec((S, HID), lambda b: (0, 0)),
        pl.BlockSpec((PBLK, HID), lambda b: (0, 0)),
        pl.BlockSpec((HID,), lambda b: (0,)),
        pl.BlockSpec((HID,), lambda b: (0,)),
    ]

    out = None
    off = 0
    for i, cb in enumerate(CHUNKS):
        def _out_idx(b, _o=off):
            return (b + _o, 0, 0)
        if i == 0:
            out = pl.pallas_call(
                _make_tc_body(False),
                out_shape=jax.ShapeDtypeStruct((B, S, HID), jnp.float32),
                grid=(cb,),
                in_specs=([pl.BlockSpec((1, S, HID), lambda b: (b, 0, 0))]
                          + data_specs),
                out_specs=pl.BlockSpec((1, S, HID), _out_idx),
            )(inters[0], pos2, pshift, gamma, beta)
        else:
            out = pl.pallas_call(
                _make_tc_body(True),
                out_shape=jax.ShapeDtypeStruct((B, S, HID), jnp.float32),
                grid=(cb,),
                in_specs=([pl.BlockSpec(memory_space=pl.ANY)]
                          + [pl.BlockSpec((1, S, HID), lambda b: (b, 0, 0))]
                          + data_specs),
                out_specs=pl.BlockSpec((1, S, HID), _out_idx),
                input_output_aliases={0: 0},
            )(out, inters[i], pos2, pshift, gamma, beta)
        off += cb
    return out

# --- scband reference (transcript-rebuilt; emitter-appended) ---
"""Pipeline reference for scband-bert-embeddings-16363825398085 (READ-ONLY COPY).

The authoritative reference and input builder live on the scoring server;
editing this copy changes nothing except your own understanding.
"""

import jax, jax.numpy as jnp
import numpy as np

VOCAB = 30522
HID = 768
MAXPOS = 512
TYPES = 2
PROMPT = 20
B = 32
S = 512
EPS = 1e-12


def setup_inputs(seed: int = 0) -> dict:
    key = jax.random.key(seed)
    ks = jax.random.split(key, 5)
    word_emb = jax.random.normal(ks[0], (VOCAB, HID), dtype=jnp.float32) * 0.02
    # nn.Embedding padding_idx=0 zeros that row at init
    word_emb = word_emb.at[0].set(0.0)
    pos_emb = jax.random.normal(ks[1], (MAXPOS, HID), dtype=jnp.float32) * 0.02
    type_emb = jax.random.normal(ks[2], (TYPES, HID), dtype=jnp.float32) * 0.02
    # prompt_embeddings initialized as clone of word_embeddings[2:2+prompt_len]
    prompt_emb = word_emb[2:2 + PROMPT]
    gamma = jnp.ones((HID,), dtype=jnp.float32)
    beta = jnp.zeros((HID,), dtype=jnp.float32)
    input_ids = jax.random.randint(ks[3], (B, S), 0, VOCAB, dtype=jnp.int32)
    return {
        "input_ids": input_ids,
        "word_emb": word_emb,
        "pos_emb": pos_emb,
        "type_emb": type_emb,
        "prompt_emb": prompt_emb,
        "gamma": gamma,
        "beta": beta,
    }


def reference(input_ids, word_emb, pos_emb, type_emb, prompt_emb, gamma, beta):
    # word embedding lookup (gather)
    inputs_embeds = jnp.take(word_emb, input_ids, axis=0)  # [B, S, H]
    # overwrite positions 1 : 1+prompt_len with learned prompt (broadcast over batch)
    inputs_embeds = inputs_embeds.at[:, 1:1 + PROMPT, :].set(prompt_emb)
    # position embeddings: position_ids = arange(S)
    position_ids = jnp.arange(S, dtype=jnp.int32)
    position_embeddings = jnp.take(pos_emb, position_ids, axis=0)[None, :, :]  # [1, S, H]
    # token_type_ids default to zeros
    token_type_ids = jnp.zeros((B, S), dtype=jnp.int32)
    token_type_embeddings = jnp.take(type_emb, token_type_ids, axis=0)  # [B, S, H]
    embeddings = inputs_embeds + position_embeddings + token_type_embeddings
    # LayerNorm over last dim, eps=1e-12
    mean = jnp.mean(embeddings, axis=-1, keepdims=True)
    var = jnp.mean(jnp.square(embeddings - mean), axis=-1, keepdims=True)
    xhat = (embeddings - mean) / jnp.sqrt(var + EPS)
    out = xhat * gamma + beta
    # dropout is identity in eval mode
    return out

if __name__ == "__main__":
    import jax
    _d = setup_inputs()
    print(jax.jit(kernel)(*tuple(_d.values())))

</pallas_src>

<mosaic_0001>
#map = affine_map<(d0, d1) -> (0)>
#map1 = affine_map<(d0, d1) -> (0, 0)>
#map2 = affine_map<(d0, d1) -> (0, 0, 0)>
module attributes {stable_mosaic.version = 14 : i64} {
  func.func @_sc_gather_body(%arg0: i32, %arg1: i32, %arg2: memref<8192xi32, #tpu.memory_space<hbm>>, %arg3: memref<30522x768xf32, #tpu.memory_space<hbm>>, %arg4: memref<16x512x768xf32, #tpu.memory_space<hbm>>, %arg5: memref<256xi32, #tpu.memory_space<vmem>>, %arg6: memref<16x768xf32, #tpu.memory_space<vmem>>, %arg7: memref<16x768xf32, #tpu.memory_space<vmem>>, %arg8: memref<16x768xf32, #tpu.memory_space<vmem>>, %arg9: memref<16x768xf32, #tpu.memory_space<vmem>>, %arg10: memref<!tpu.dma_semaphore, #tpu.memory_space<semaphore_mem>>, %arg11: memref<!tpu.dma_semaphore, #tpu.memory_space<semaphore_mem>>, %arg12: memref<!tpu.dma_semaphore, #tpu.memory_space<semaphore_mem>>, %arg13: memref<!tpu.dma_semaphore, #tpu.memory_space<semaphore_mem>>, %arg14: memref<!tpu.dma_semaphore, #tpu.memory_space<semaphore_mem>>, %arg15: memref<!tpu.dma_semaphore, #tpu.memory_space<semaphore_mem>>, %arg16: memref<!tpu.dma_semaphore, #tpu.memory_space<semaphore_mem>>, %arg17: memref<!tpu.dma_semaphore, #tpu.memory_space<semaphore_mem>>) attributes {dimension_semantics = [#tpu.dimension_semantics<core_parallel>, #tpu.dimension_semantics<subcore_parallel>], iteration_bounds = array<i64: 2, 16>, scalar_prefetch = 0 : i64, scratch_operands = 13 : i64, tpu.core_type = #tpu.core_type<sc_vector_subcore>, window_params = [{transform_indices = #map}, {transform_indices = #map1}, {transform_indices = #map2}]} {
    %mul3A = arith.constant 2 : i32
    %mul3A_0 = arith.muli %arg1, %mul3A : i32
    %add3A = arith.addi %mul3A_0, %arg0 : i32
    %mul3A_1 = arith.constant 16 : i32
    %mul3A_2 = arith.muli %add3A, %mul3A_1 : i32
    %mul3A_3 = arith.constant 256 : i32
    %mul3A_4 = arith.muli %add3A, %mul3A_3 : i32
    "tpu.region"() ({
      %run_scoped3A = tpu.sem_alloc : memref<!tpu.dma_semaphore, #tpu.memory_space<semaphore_mem>>
      %dma_start3A_46 = tpu.memref_slice %arg2[%mul3A_4] : memref<8192xi32, #tpu.memory_space<hbm>> -> memref<256xi32, #tpu.memory_space<hbm>>
      %dma_start3A_47 = tpu.memref_slice %arg2[%mul3A_4] : memref<8192xi32, #tpu.memory_space<hbm>> -> memref<256xi32, #tpu.memory_space<hbm>>
      tpu.enqueue_dma source(%dma_start3A_47 : memref<256xi32, #tpu.memory_space<hbm>>) target(%arg5 : memref<256xi32, #tpu.memory_space<vmem>>) target_semaphore(%run_scoped3A : memref<!tpu.dma_semaphore, #tpu.memory_space<semaphore_mem>>)
      %dma_wait3A_48 = tpu.memref_slice %arg2[%mul3A_4] : memref<8192xi32, #tpu.memory_space<hbm>> -> memref<256xi32, #tpu.memory_space<hbm>>
      %dma_wait3A_49 = tpu.memref_slice %arg2[%mul3A_4] : memref<8192xi32, #tpu.memory_space<hbm>> -> memref<256xi32, #tpu.memory_space<hbm>>
      tpu.wait_dma2 semaphore(%run_scoped3A : memref<!tpu.dma_semaphore, #tpu.memory_space<semaphore_mem>>) src(%dma_wait3A_49 : memref<256xi32, #tpu.memory_space<hbm>>) dst(%arg5 : memref<256xi32, #tpu.memory_space<vmem>>)
      tpu.yield
    }) : () -> ()
    %dma_start3A = arith.constant 0 : i32
    %dma_start3A_5 = tpu.memref_slice %arg5[%dma_start3A] : memref<256xi32, #tpu.memory_space<vmem>> -> memref<16xi32, #tpu.memory_space<vmem>>
    %dma_start3A_6 = arith.constant 0 : i32
    %dma_start3A_7 = arith.constant 0 : i32
    %dma_start3A_8 = tpu.memref_slice %arg3[%dma_start3A_6, %dma_start3A_7] : memref<30522x768xf32, #tpu.memory_space<hbm>> -> memref<30522x768xf32, #tpu.memory_space<hbm>>
    tpu.enqueue_indirect_dma source(%dma_start3A_8 : memref<30522x768xf32, #tpu.memory_space<hbm>>) target(%arg6 : memref<16x768xf32, #tpu.memory_space<vmem>>) offsets(%dma_start3A_5 : memref<16xi32, #tpu.memory_space<vmem>>) semaphore(%arg10 : memref<!tpu.dma_semaphore, #tpu.memory_space<semaphore_mem>>)
    %dma_start3A_9 = arith.constant 16 : i32
    %dma_start3A_10 = tpu.memref_slice %arg5[%dma_start3A_9] : memref<256xi32, #tpu.memory_space<vmem>> -> memref<16xi32, #tpu.memory_space<vmem>>
    %dma_start3A_11 = arith.constant 0 : i32
    %dma_start3A_12 = arith.constant 0 : i32
    %dma_start3A_13 = tpu.memref_slice %arg3[%dma_start3A_11, %dma_start3A_12] : memref<30522x768xf32, #tpu.memory_space<hbm>> -> memref<30522x768xf32, #tpu.memory_space<hbm>>
    tpu.enqueue_indirect_dma source(%dma_start3A_13 : memref<30522x768xf32, #tpu.memory_space<hbm>>) target(%arg7 : memref<16x768xf32, #tpu.memory_space<vmem>>) offsets(%dma_start3A_10 : memref<16xi32, #tpu.memory_space<vmem>>) semaphore(%arg11 : memref<!tpu.dma_semaphore, #tpu.memory_space<semaphore_mem>>)
    %scan3A = arith.constant 0 : i32
    %scan3A_14 = arith.constant 0 : i32
    %scan3A_15 = arith.constant 4 : i32
    %scan3A_16 = arith.addi %scan3A_14, %scan3A_15 : i32
    %scan3A_17 = arith.constant 1 : i32
    scf.for %scan3A_46 = %scan3A_14 to %scan3A_16 step %scan3A_17  : i32 {
      %mul3A_47 = arith.constant 4 : i32
      %mul3A_48 = arith.muli %scan3A_46, %mul3A_47 : i32
      %add3A_49 = arith.constant 0 : i32
      %add3A_50 = arith.addi %mul3A_48, %add3A_49 : i32
      %mul3A_51 = arith.constant 16 : i32
      %mul3A_52 = arith.muli %add3A_50, %mul3A_51 : i32
      %dma_wait3A_53 = tpu.memref_slice %arg5[%mul3A_52] : memref<256xi32, #tpu.memory_space<vmem>> -> memref<16xi32, #tpu.memory_space<vmem>>
      %dma_wait3A_54 = arith.constant 0 : i32
      %dma_wait3A_55 = arith.constant 0 : i32
      %dma_wait3A_56 = tpu.memref_slice %arg3[%dma_wait3A_54, %dma_wait3A_55] : memref<30522x768xf32, #tpu.memory_space<hbm>> -> memref<30522x768xf32, #tpu.memory_space<hbm>>
      tpu.wait_indirect_dma semaphore(%arg10 : memref<!tpu.dma_semaphore, #tpu.memory_space<semaphore_mem>>) src(%dma_wait3A_56 : memref<30522x768xf32, #tpu.memory_space<hbm>>) dst(%arg6 : memref<16x768xf32, #tpu.memory_space<vmem>>)
      %dma_start3A_57 = arith.constant 0 : i32
      %dma_start3A_58 = tpu.memref_slice %arg4[%add3A_50, %mul3A_2, %dma_start3A_57] : memref<16x512x768xf32, #tpu.memory_space<hbm>> -> memref<1x16x768xf32, #tpu.memory_space<hbm>>
      %dma_start3A_59 = tpu.memref_squeeze %dma_start3A_58 : memref<1x16x768xf32, #tpu.memory_space<hbm>> -> memref<16x768xf32, #tpu.memory_space<hbm>>
      %dma_start3A_60 = arith.constant 0 : i32
      %dma_start3A_61 = tpu.memref_slice %arg4[%add3A_50, %mul3A_2, %dma_start3A_60] : memref<16x512x768xf32, #tpu.memory_space<hbm>> -> memref<1x16x768xf32, #tpu.memory_space<hbm>>
      %dma_start3A_62 = tpu.memref_squeeze %dma_start3A_61 : memref<1x16x768xf32, #tpu.memory_space<hbm>> -> memref<16x768xf32, #tpu.memory_space<hbm>>
      tpu.enqueue_dma source(%arg6 : memref<16x768xf32, #tpu.memory_space<vmem>>) target(%dma_start3A_62 : memref<16x768xf32, #tpu.memory_space<hbm>>) target_semaphore(%arg14 : memref<!tpu.dma_semaphore, #tpu.memory_space<semaphore_mem>>)
      %add3A_63 = arith.constant 2 : i32
      %add3A_64 = arith.addi %add3A_50, %add3A_63 : i32
      %lt3A = arith.constant 16 : i32
      %lt3A_65 = arith.cmpi slt, %add3A_64, %lt3A : i32
      %convert_element_type3A = arith.extui %lt3A_65 : i1 to i32
      %cond3A = arith.constant 0 : i32
      %cond3A_66 = arith.cmpi ne, %convert_element_type3A, %cond3A : i32
      scf.if %cond3A_66 {
        %ge3A = arith.constant 2 : i32
        %ge3A_136 = arith.cmpi sge, %add3A_50, %ge3A : i32
        %convert_element_type3A_137 = arith.extui %ge3A_136 : i1 to i32
        %cond3A_138 = arith.constant 0 : i32
        %cond3A_139 = arith.cmpi ne, %convert_element_type3A_137, %cond3A_138 : i32
        scf.if %cond3A_139 {
          %sub3A = arith.constant 2 : i32
          %sub3A_148 = arith.subi %add3A_50, %sub3A : i32
          %dma_wait3A_149 = arith.constant 0 : i32
          %dma_wait3A_150 = tpu.memref_slice %arg4[%sub3A_148, %mul3A_2, %dma_wait3A_149] : memref<16x512x768xf32, #tpu.memory_space<hbm>> -> memref<1x16x768xf32, #tpu.memory_space<hbm>>
          %dma_wait3A_151 = tpu.memref_squeeze %dma_wait3A_150 : memref<1x16x768xf32, #tpu.memory_space<hbm>> -> memref<16x768xf32, #tpu.memory_space<hbm>>
          %dma_wait3A_152 = arith.constant 0 : i32
          %dma_wait3A_153 = tpu.memref_slice %arg4[%sub3A_148, %mul3A_2, %dma_wait3A_152] : memref<16x512x768xf32, #tpu.memory_space<hbm>> -> memref<1x16x768xf32, #tpu.memory_space<hbm>>
          %dma_wait3A_154 = tpu.memref_squeeze %dma_wait3A_153 : memref<1x16x768xf32, #tpu.memory_space<hbm>> -> memref<16x768xf32, #tpu.memory_space<hbm>>
          tpu.wait_dma2 semaphore(%arg16 : memref<!tpu.dma_semaphore, #tpu.memory_space<semaphore_mem>>) src(%arg8 : memref<16x768xf32, #tpu.memory_space<vmem>>) dst(%dma_wait3A_154 : memref<16x768xf32, #tpu.memory_space<hbm>>)
        } else {
        }
        %add3A_140 = arith.constant 2 : i32
        %add3A_141 = arith.addi %add3A_50, %add3A_140 : i32
        %mul3A_142 = arith.constant 16 : i32
        %mul3A_143 = arith.muli %add3A_141, %mul3A_142 : i32
        %dma_start3A_144 = tpu.memref_slice %arg5[%mul3A_143] : memref<256xi32, #tpu.memory_space<vmem>> -> memref<16xi32, #tpu.memory_space<vmem>>
        %dma_start3A_145 = arith.constant 0 : i32
        %dma_start3A_146 = arith.constant 0 : i32
        %dma_start3A_147 = tpu.memref_slice %arg3[%dma_start3A_145, %dma_start3A_146] : memref<30522x768xf32, #tpu.memory_space<hbm>> -> memref<30522x768xf32, #tpu.memory_space<hbm>>
        tpu.enqueue_indirect_dma source(%dma_start3A_147 : memref<30522x768xf32, #tpu.memory_space<hbm>>) target(%arg8 : memref<16x768xf32, #tpu.memory_space<vmem>>) offsets(%dma_start3A_144 : memref<16xi32, #tpu.memory_space<vmem>>) semaphore(%arg12 : memref<!tpu.dma_semaphore, #tpu.memory_space<semaphore_mem>>)
      } else {
      }
      %mul3A_67 = arith.constant 4 : i32
      %mul3A_68 = arith.muli %scan3A_46, %mul3A_67 : i32
      %add3A_69 = arith.constant 1 : i32
      %add3A_70 = arith.addi %mul3A_68, %add3A_69 : i32
      %mul3A_71 = arith.constant 16 : i32
      %mul3A_72 = arith.muli %add3A_70, %mul3A_71 : i32
      %dma_wait3A_73 = tpu.memref_slice %arg5[%mul3A_72] : memref<256xi32, #tpu.memory_space<vmem>> -> memref<16xi32, #tpu.memory_space<vmem>>
      %dma_wait3A_74 = arith.constant 0 : i32
      %dma_wait3A_75 = arith.constant 0 : i32
      %dma_wait3A_76 = tpu.memref_slice %arg3[%dma_wait3A_74, %dma_wait3A_75] : memref<30522x768xf32, #tpu.memory_space<hbm>> -> memref<30522x768xf32, #tpu.memory_space<hbm>>
      tpu.wait_indirect_dma semaphore(%arg11 : memref<!tpu.dma_semaphore, #tpu.memory_space<semaphore_mem>>) src(%dma_wait3A_76 : memref<30522x768xf32, #tpu.memory_space<hbm>>) dst(%arg7 : memref<16x768xf32, #tpu.memory_space<vmem>>)
      %dma_start3A_77 = arith.constant 0 : i32
      %dma_start3A_78 = tpu.memref_slice %arg4[%add3A_70, %mul3A_2, %dma_start3A_77] : memref<16x512x768xf32, #tpu.memory_space<hbm>> -> memref<1x16x768xf32, #tpu.memory_space<hbm>>
      %dma_start3A_79 = tpu.memref_squeeze %dma_start3A_78 : memref<1x16x768xf32, #tpu.memory_space<hbm>> -> memref<16x768xf32, #tpu.memory_space<hbm>>
      %dma_start3A_80 = arith.constant 0 : i32
      %dma_start3A_81 = tpu.memref_slice %arg4[%add3A_70, %mul3A_2, %dma_start3A_80] : memref<16x512x768xf32, #tpu.memory_space<hbm>> -> memref<1x16x768xf32, #tpu.memory_space<hbm>>
      %dma_start3A_82 = tpu.memref_squeeze %dma_start3A_81 : memref<1x16x768xf32, #tpu.memory_space<hbm>> -> memref<16x768xf32, #tpu.memory_space<hbm>>
      tpu.enqueue_dma source(%arg7 : memref<16x768xf32, #tpu.memory_space<vmem>>) target(%dma_start3A_82 : memref<16x768xf32, #tpu.memory_space<hbm>>) target_semaphore(%arg15 : memref<!tpu.dma_semaphore, #tpu.memory_space<semaphore_mem>>)
      %add3A_83 = arith.constant 2 : i32
      %add3A_84 = arith.addi %add3A_70, %add3A_83 : i32
      %lt3A_85 = arith.constant 16 : i32
      %lt3A_86 = arith.cmpi slt, %add3A_84, %lt3A_85 : i32
      %convert_element_type3A_87 = arith.extui %lt3A_86 : i1 to i32
      %cond3A_88 = arith.constant 0 : i32
      %cond3A_89 = arith.cmpi ne, %convert_element_type3A_87, %cond3A_88 : i32
      scf.if %cond3A_89 {
        %ge3A = arith.constant 2 : i32
        %ge3A_136 = arith.cmpi sge, %add3A_70, %ge3A : i32
        %convert_element_type3A_137 = arith.extui %ge3A_136 : i1 to i32
        %cond3A_138 = arith.constant 0 : i32
        %cond3A_139 = arith.cmpi ne, %convert_element_type3A_137, %cond3A_138 : i32
        scf.if %cond3A_139 {
          %sub3A = arith.constant 2 : i32
          %sub3A_148 = arith.subi %add3A_70, %sub3A : i32
          %dma_wait3A_149 = arith.constant 0 : i32
          %dma_wait3A_150 = tpu.memref_slice %arg4[%sub3A_148, %mul3A_2, %dma_wait3A_149] : memref<16x512x768xf32, #tpu.memory_space<hbm>> -> memref<1x16x768xf32, #tpu.memory_space<hbm>>
          %dma_wait3A_151 = tpu.memref_squeeze %dma_wait3A_150 : memref<1x16x768xf32, #tpu.memory_space<hbm>> -> memref<16x768xf32, #tpu.memory_space<hbm>>
          %dma_wait3A_152 = arith.constant 0 : i32
          %dma_wait3A_153 = tpu.memref_slice %arg4[%sub3A_148, %mul3A_2, %dma_wait3A_152] : memref<16x512x768xf32, #tpu.memory_space<hbm>> -> memref<1x16x768xf32, #tpu.memory_space<hbm>>
          %dma_wait3A_154 = tpu.memref_squeeze %dma_wait3A_153 : memref<1x16x768xf32, #tpu.memory_space<hbm>> -> memref<16x768xf32, #tpu.memory_space<hbm>>
          tpu.wait_dma2 semaphore(%arg17 : memref<!tpu.dma_semaphore, #tpu.memory_space<semaphore_mem>>) src(%arg9 : memref<16x768xf32, #tpu.memory_space<vmem>>) dst(%dma_wait3A_154 : memref<16x768xf32, #tpu.memory_space<hbm>>)
        } else {
        }
        %add3A_140 = arith.constant 2 : i32
        %add3A_141 = arith.addi %add3A_70, %add3A_140 : i32
        %mul3A_142 = arith.constant 16 : i32
        %mul3A_143 = arith.muli %add3A_141, %mul3A_142 : i32
        %dma_start3A_144 = tpu.memref_slice %arg5[%mul3A_143] : memref<256xi32, #tpu.memory_space<vmem>> -> memref<16xi32, #tpu.memory_space<vmem>>
        %dma_start3A_145 = arith.constant 0 : i32
        %dma_start3A_146 = arith.constant 0 : i32
        %dma_start3A_147 = tpu.memref_slice %arg3[%dma_start3A_145, %dma_start3A_146] : memref<30522x768xf32, #tpu.memory_space<hbm>> -> memref<30522x768xf32, #tpu.memory_space<hbm>>
        tpu.enqueue_indirect_dma source(%dma_start3A_147 : memref<30522x768xf32, #tpu.memory_space<hbm>>) target(%arg9 : memref<16x768xf32, #tpu.memory_space<vmem>>) offsets(%dma_start3A_144 : memref<16xi32, #tpu.memory_space<vmem>>) semaphore(%arg13 : memref<!tpu.dma_semaphore, #tpu.memory_space<semaphore_mem>>)
      } else {
      }
      %mul3A_90 = arith.constant 4 : i32
      %mul3A_91 = arith.muli %scan3A_46, %mul3A_90 : i32
      %add3A_92 = arith.constant 2 : i32
      %add3A_93 = arith.addi %mul3A_91, %add3A_92 : i32
      %mul3A_94 = arith.constant 16 : i32
      %mul3A_95 = arith.muli %add3A_93, %mul3A_94 : i32
      %dma_wait3A_96 = tpu.memref_slice %arg5[%mul3A_95] : memref<256xi32, #tpu.memory_space<vmem>> -> memref<16xi32, #tpu.memory_space<vmem>>
      %dma_wait3A_97 = arith.constant 0 : i32
      %dma_wait3A_98 = arith.constant 0 : i32
      %dma_wait3A_99 = tpu.memref_slice %arg3[%dma_wait3A_97, %dma_wait3A_98] : memref<30522x768xf32, #tpu.memory_space<hbm>> -> memref<30522x768xf32, #tpu.memory_space<hbm>>
      tpu.wait_indirect_dma semaphore(%arg12 : memref<!tpu.dma_semaphore, #tpu.memory_space<semaphore_mem>>) src(%dma_wait3A_99 : memref<30522x768xf32, #tpu.memory_space<hbm>>) dst(%arg8 : memref<16x768xf32, #tpu.memory_space<vmem>>)
      %dma_start3A_100 = arith.constant 0 : i32
      %dma_start3A_101 = tpu.memref_slice %arg4[%add3A_93, %mul3A_2, %dma_start3A_100] : memref<16x512x768xf32, #tpu.memory_space<hbm>> -> memref<1x16x768xf32, #tpu.memory_space<hbm>>
      %dma_start3A_102 = tpu.memref_squeeze %dma_start3A_101 : memref<1x16x768xf32, #tpu.memory_space<hbm>> -> memref<16x768xf32, #tpu.memory_space<hbm>>
      %dma_start3A_103 = arith.constant 0 : i32
      %dma_start3A_104 = tpu.memref_slice %arg4[%add3A_93, %mul3A_2, %dma_start3A_103] : memref<16x512x768xf32, #tpu.memory_space<hbm>> -> memref<1x16x768xf32, #tpu.memory_space<hbm>>
      %dma_start3A_105 = tpu.memref_squeeze %dma_start3A_104 : memref<1x16x768xf32, #tpu.memory_space<hbm>> -> memref<16x768xf32, #tpu.memory_space<hbm>>
      tpu.enqueue_dma source(%arg8 : memref<16x768xf32, #tpu.memory_space<vmem>>) target(%dma_start3A_105 : memref<16x768xf32, #tpu.memory_space<hbm>>) target_semaphore(%arg16 : memref<!tpu.dma_semaphore, #tpu.memory_space<semaphore_mem>>)
      %add3A_106 = arith.constant 2 : i32
      %add3A_107 = arith.addi %add3A_93, %add3A_106 : i32
      %lt3A_108 = arith.constant 16 : i32
      %lt3A_109 = arith.cmpi slt, %add3A_107, %lt3A_108 : i32
      %convert_element_type3A_110 = arith.extui %lt3A_109 : i1 to i32
      %cond3A_111 = arith.constant 0 : i32
      %cond3A_112 = arith.cmpi ne, %convert_element_type3A_110, %cond3A_111 : i32
      scf.if %cond3A_112 {
        %ge3A = arith.constant 2 : i32
        %ge3A_136 = arith.cmpi sge, %add3A_93, %ge3A : i32
        %convert_element_type3A_137 = arith.extui %ge3A_136 : i1 to i32
        %cond3A_138 = arith.constant 0 : i32
        %cond3A_139 = arith.cmpi ne, %convert_element_type3A_137, %cond3A_138 : i32
        scf.if %cond3A_139 {
          %sub3A = arith.constant 2 : i32
          %sub3A_148 = arith.subi %add3A_93, %sub3A : i32
          %dma_wait3A_149 = arith.constant 0 : i32
          %dma_wait3A_150 = tpu.memref_slice %arg4[%sub3A_148, %mul3A_2, %dma_wait3A_149] : memref<16x512x768xf32, #tpu.memory_space<hbm>> -> memref<1x16x768xf32, #tpu.memory_space<hbm>>
          %dma_wait3A_151 = tpu.memref_squeeze %dma_wait3A_150 : memref<1x16x768xf32, #tpu.memory_space<hbm>> -> memref<16x768xf32, #tpu.memory_space<hbm>>
          %dma_wait3A_152 = arith.constant 0 : i32
          %dma_wait3A_153 = tpu.memref_slice %arg4[%sub3A_148, %mul3A_2, %dma_wait3A_152] : memref<16x512x768xf32, #tpu.memory_space<hbm>> -> memref<1x16x768xf32, #tpu.memory_space<hbm>>
          %dma_wait3A_154 = tpu.memref_squeeze %dma_wait3A_153 : memref<1x16x768xf32, #tpu.memory_space<hbm>> -> memref<16x768xf32, #tpu.memory_space<hbm>>
          tpu.wait_dma2 semaphore(%arg14 : memref<!tpu.dma_semaphore, #tpu.memory_space<semaphore_mem>>) src(%arg6 : memref<16x768xf32, #tpu.memory_space<vmem>>) dst(%dma_wait3A_154 : memref<16x768xf32, #tpu.memory_space<hbm>>)
        } else {
        }
        %add3A_140 = arith.constant 2 : i32
        %add3A_141 = arith.addi %add3A_93, %add3A_140 : i32
        %mul3A_142 = arith.constant 16 : i32
        %mul3A_143 = arith.muli %add3A_141, %mul3A_142 : i32
        %dma_start3A_144 = tpu.memref_slice %arg5[%mul3A_143] : memref<256xi32, #tpu.memory_space<vmem>> -> memref<16xi32, #tpu.memory_space<vmem>>
        %dma_start3A_145 = arith.constant 0 : i32
        %dma_start3A_146 = arith.constant 0 : i32
        %dma_start3A_147 = tpu.memref_slice %arg3[%dma_start3A_145, %dma_start3A_146] : memref<30522x768xf32, #tpu.memory_space<hbm>> -> memref<30522x768xf32, #tpu.memory_space<hbm>>
        tpu.enqueue_indirect_dma source(%dma_start3A_147 : memref<30522x768xf32, #tpu.memory_space<hbm>>) target(%arg6 : memref<16x768xf32, #tpu.memory_space<vmem>>) offsets(%dma_start3A_144 : memref<16xi32, #tpu.memory_space<vmem>>) semaphore(%arg10 : memref<!tpu.dma_semaphore, #tpu.memory_space<semaphore_mem>>)
      } else {
      }
      %mul3A_113 = arith.constant 4 : i32
      %mul3A_114 = arith.muli %scan3A_46, %mul3A_113 : i32
      %add3A_115 = arith.constant 3 : i32
      %add3A_116 = arith.addi %mul3A_114, %add3A_115 : i32
      %mul3A_117 = arith.constant 16 : i32
      %mul3A_118 = arith.muli %add3A_116, %mul3A_117 : i32
      %dma_wait3A_119 = tpu.memref_slice %arg5[%mul3A_118] : memref<256xi32, #tpu.memory_space<vmem>> -> memref<16xi32, #tpu.memory_space<vmem>>
      %dma_wait3A_120 = arith.constant 0 : i32
      %dma_wait3A_121 = arith.constant 0 : i32
      %dma_wait3A_122 = tpu.memref_slice %arg3[%dma_wait3A_120, %dma_wait3A_121] : memref<30522x768xf32, #tpu.memory_space<hbm>> -> memref<30522x768xf32, #tpu.memory_space<hbm>>
      tpu.wait_indirect_dma semaphore(%arg13 : memref<!tpu.dma_semaphore, #tpu.memory_space<semaphore_mem>>) src(%dma_wait3A_122 : memref<30522x768xf32, #tpu.memory_space<hbm>>) dst(%arg9 : memref<16x768xf32, #tpu.memory_space<vmem>>)
      %dma_start3A_123 = arith.constant 0 : i32
      %dma_start3A_124 = tpu.memref_slice %arg4[%add3A_116, %mul3A_2, %dma_start3A_123] : memref<16x512x768xf32, #tpu.memory_space<hbm>> -> memref<1x16x768xf32, #tpu.memory_space<hbm>>
      %dma_start3A_125 = tpu.memref_squeeze %dma_start3A_124 : memref<1x16x768xf32, #tpu.memory_space<hbm>> -> memref<16x768xf32, #tpu.memory_space<hbm>>
      %dma_start3A_126 = arith.constant 0 : i32
      %dma_start3A_127 = tpu.memref_slice %arg4[%add3A_116, %mul3A_2, %dma_start3A_126] : memref<16x512x768xf32, #tpu.memory_space<hbm>> -> memref<1x16x768xf32, #tpu.memory_space<hbm>>
      %dma_start3A_128 = tpu.memref_squeeze %dma_start3A_127 : memref<1x16x768xf32, #tpu.memory_space<hbm>> -> memref<16x768xf32, #tpu.memory_space<hbm>>
      tpu.enqueue_dma source(%arg9 : memref<16x768xf32, #tpu.memory_space<vmem>>) target(%dma_start3A_128 : memref<16x768xf32, #tpu.memory_space<hbm>>) target_semaphore(%arg17 : memref<!tpu.dma_semaphore, #tpu.memory_space<semaphore_mem>>)
      %add3A_129 = arith.constant 2 : i32
      %add3A_130 = arith.addi %add3A_116, %add3A_129 : i32
      %lt3A_131 = arith.constant 16 : i32
      %lt3A_132 = arith.cmpi slt, %add3A_130, %lt3A_131 : i32
      %convert_element_type3A_133 = arith.extui %lt3A_132 : i1 to i32
      %cond3A_134 = arith.constant 0 : i32
      %cond3A_135 = arith.cmpi ne, %convert_element_type3A_133, %cond3A_134 : i32
      scf.if %cond3A_135 {
        %ge3A = arith.constant 2 : i32
        %ge3A_136 = arith.cmpi sge, %add3A_116, %ge3A : i32
        %convert_element_type3A_137 = arith.extui %ge3A_136 : i1 to i32
        %cond3A_138 = arith.constant 0 : i32
        %cond3A_139 = arith.cmpi ne, %convert_element_type3A_137, %cond3A_138 : i32
        scf.if %cond3A_139 {
          %sub3A = arith.constant 2 : i32
          %sub3A_148 = arith.subi %add3A_116, %sub3A : i32
          %dma_wait3A_149 = arith.constant 0 : i32
          %dma_wait3A_150 = tpu.memref_slice %arg4[%sub3A_148, %mul3A_2, %dma_wait3A_149] : memref<16x512x768xf32, #tpu.memory_space<hbm>> -> memref<1x16x768xf32, #tpu.memory_space<hbm>>
          %dma_wait3A_151 = tpu.memref_squeeze %dma_wait3A_150 : memref<1x16x768xf32, #tpu.memory_space<hbm>> -> memref<16x768xf32, #tpu.memory_space<hbm>>
          %dma_wait3A_152 = arith.constant 0 : i32
          %dma_wait3A_153 = tpu.memref_slice %arg4[%sub3A_148, %mul3A_2, %dma_wait3A_152] : memref<16x512x768xf32, #tpu.memory_space<hbm>> -> memref<1x16x768xf32, #tpu.memory_space<hbm>>
          %dma_wait3A_154 = tpu.memref_squeeze %dma_wait3A_153 : memref<1x16x768xf32, #tpu.memory_space<hbm>> -> memref<16x768xf32, #tpu.memory_space<hbm>>
          tpu.wait_dma2 semaphore(%arg15 : memref<!tpu.dma_semaphore, #tpu.memory_space<semaphore_mem>>) src(%arg7 : memref<16x768xf32, #tpu.memory_space<vmem>>) dst(%dma_wait3A_154 : memref<16x768xf32, #tpu.memory_space<hbm>>)
        } else {
        }
        %add3A_140 = arith.constant 2 : i32
        %add3A_141 = arith.addi %add3A_116, %add3A_140 : i32
        %mul3A_142 = arith.constant 16 : i32
        %mul3A_143 = arith.muli %add3A_141, %mul3A_142 : i32
        %dma_start3A_144 = tpu.memref_slice %arg5[%mul3A_143] : memref<256xi32, #tpu.memory_space<vmem>> -> memref<16xi32, #tpu.memory_space<vmem>>
        %dma_start3A_145 = arith.constant 0 : i32
        %dma_start3A_146 = arith.constant 0 : i32
        %dma_start3A_147 = tpu.memref_slice %arg3[%dma_start3A_145, %dma_start3A_146] : memref<30522x768xf32, #tpu.memory_space<hbm>> -> memref<30522x768xf32, #tpu.memory_space<hbm>>
        tpu.enqueue_indirect_dma source(%dma_start3A_147 : memref<30522x768xf32, #tpu.memory_space<hbm>>) target(%arg7 : memref<16x768xf32, #tpu.memory_space<vmem>>) offsets(%dma_start3A_144 : memref<16xi32, #tpu.memory_space<vmem>>) semaphore(%arg11 : memref<!tpu.dma_semaphore, #tpu.memory_space<semaphore_mem>>)
      } else {
      }
    }
    %scan3A_18 = arith.constant 4 : i32
    %dma_wait3A = arith.constant 12 : i32
    %dma_wait3A_19 = arith.constant 0 : i32
    %dma_wait3A_20 = tpu.memref_slice %arg4[%dma_wait3A, %mul3A_2, %dma_wait3A_19] : memref<16x512x768xf32, #tpu.memory_space<hbm>> -> memref<1x16x768xf32, #tpu.memory_space<hbm>>
    %dma_wait3A_21 = tpu.memref_squeeze %dma_wait3A_20 : memref<1x16x768xf32, #tpu.memory_space<hbm>> -> memref<16x768xf32, #tpu.memory_space<hbm>>
    %dma_wait3A_22 = arith.constant 0 : i32
    %dma_wait3A_23 = tpu.memref_slice %arg4[%dma_wait3A, %mul3A_2, %dma_wait3A_22] : memref<16x512x768xf32, #tpu.memory_space<hbm>> -> memref<1x16x768xf32, #tpu.memory_space<hbm>>
    %dma_wait3A_24 = tpu.memref_squeeze %dma_wait3A_23 : memref<1x16x768xf32, #tpu.memory_space<hbm>> -> memref<16x768xf32, #tpu.memory_space<hbm>>
    tpu.wait_dma2 semaphore(%arg14 : memref<!tpu.dma_semaphore, #tpu.memory_space<semaphore_mem>>) src(%arg6 : memref<16x768xf32, #tpu.memory_space<vmem>>) dst(%dma_wait3A_24 : memref<16x768xf32, #tpu.memory_space<hbm>>)
    %dma_wait3A_25 = arith.constant 13 : i32
    %dma_wait3A_26 = arith.constant 0 : i32
    %dma_wait3A_27 = tpu.memref_slice %arg4[%dma_wait3A_25, %mul3A_2, %dma_wait3A_26] : memref<16x512x768xf32, #tpu.memory_space<hbm>> -> memref<1x16x768xf32, #tpu.memory_space<hbm>>
    %dma_wait3A_28 = tpu.memref_squeeze %dma_wait3A_27 : memref<1x16x768xf32, #tpu.memory_space<hbm>> -> memref<16x768xf32, #tpu.memory_space<hbm>>
    %dma_wait3A_29 = arith.constant 0 : i32
    %dma_wait3A_30 = tpu.memref_slice %arg4[%dma_wait3A_25, %mul3A_2, %dma_wait3A_29] : memref<16x512x768xf32, #tpu.memory_space<hbm>> -> memref<1x16x768xf32, #tpu.memory_space<hbm>>
    %dma_wait3A_31 = tpu.memref_squeeze %dma_wait3A_30 : memref<1x16x768xf32, #tpu.memory_space<hbm>> -> memref<16x768xf32, #tpu.memory_space<hbm>>
    tpu.wait_dma2 semaphore(%arg15 : memref<!tpu.dma_semaphore, #tpu.memory_space<semaphore_mem>>) src(%arg7 : memref<16x768xf32, #tpu.memory_space<vmem>>) dst(%dma_wait3A_31 : memref<16x768xf32, #tpu.memory_space<hbm>>)
    %dma_wait3A_32 = arith.constant 14 : i32
    %dma_wait3A_33 = arith.constant 0 : i32
    %dma_wait3A_34 = tpu.memref_slice %arg4[%dma_wait3A_32, %mul3A_2, %dma_wait3A_33] : memref<16x512x768xf32, #tpu.memory_space<hbm>> -> memref<1x16x768xf32, #tpu.memory_space<hbm>>
    %dma_wait3A_35 = tpu.memref_squeeze %dma_wait3A_34 : memref<1x16x768xf32, #tpu.memory_space<hbm>> -> memref<16x768xf32, #tpu.memory_space<hbm>>
    %dma_wait3A_36 = arith.constant 0 : i32
    %dma_wait3A_37 = tpu.memref_slice %arg4[%dma_wait3A_32, %mul3A_2, %dma_wait3A_36] : memref<16x512x768xf32, #tpu.memory_space<hbm>> -> memref<1x16x768xf32, #tpu.memory_space<hbm>>
    %dma_wait3A_38 = tpu.memref_squeeze %dma_wait3A_37 : memref<1x16x768xf32, #tpu.memory_space<hbm>> -> memref<16x768xf32, #tpu.memory_space<hbm>>
    tpu.wait_dma2 semaphore(%arg16 : memref<!tpu.dma_semaphore, #tpu.memory_space<semaphore_mem>>) src(%arg8 : memref<16x768xf32, #tpu.memory_space<vmem>>) dst(%dma_wait3A_38 : memref<16x768xf32, #tpu.memory_space<hbm>>)
    %dma_wait3A_39 = arith.constant 15 : i32
    %dma_wait3A_40 = arith.constant 0 : i32
    %dma_wait3A_41 = tpu.memref_slice %arg4[%dma_wait3A_39, %mul3A_2, %dma_wait3A_40] : memref<16x512x768xf32, #tpu.memory_space<hbm>> -> memref<1x16x768xf32, #tpu.memory_space<hbm>>
    %dma_wait3A_42 = tpu.memref_squeeze %dma_wait3A_41 : memref<1x16x768xf32, #tpu.memory_space<hbm>> -> memref<16x768xf32, #tpu.memory_space<hbm>>
    %dma_wait3A_43 = arith.constant 0 : i32
    %dma_wait3A_44 = tpu.memref_slice %arg4[%dma_wait3A_39, %mul3A_2, %dma_wait3A_43] : memref<16x512x768xf32, #tpu.memory_space<hbm>> -> memref<1x16x768xf32, #tpu.memory_space<hbm>>
    %dma_wait3A_45 = tpu.memref_squeeze %dma_wait3A_44 : memref<1x16x768xf32, #tpu.memory_space<hbm>> -> memref<16x768xf32, #tpu.memory_space<hbm>>
    tpu.wait_dma2 semaphore(%arg17 : memref<!tpu.dma_semaphore, #tpu.memory_space<semaphore_mem>>) src(%arg9 : memref<16x768xf32, #tpu.memory_space<vmem>>) dst(%dma_wait3A_45 : memref<16x768xf32, #tpu.memory_space<hbm>>)
    return
  }
}

#map = affine_map<(d0, d1) -> (0)>
#map1 = affine_map<(d0, d1) -> (0, 0)>
#map2 = affine_map<(d0, d1) -> (0, 0, 0)>
module attributes {stable_mosaic.version = 14 : i64} {
  func.func @_sc_gather_body(%arg0: i32, %arg1: i32, %arg2: memref<8192xi32, #tpu.memory_space<hbm>>, %arg3: memref<30522x768xf32, #tpu.memory_space<hbm>>, %arg4: memref<16x512x768xf32, #tpu.memory_space<hbm>>, %arg5: memref<256xi32, #tpu.memory_space<vmem>>, %arg6: memref<16x768xf32, #tpu.memory_space<vmem>>, %arg7: memref<16x768xf32, #tpu.memory_space<vmem>>, %arg8: memref<16x768xf32, #tpu.memory_space<vmem>>, %arg9: memref<16x768xf32, #tpu.memory_space<vmem>>, %arg10: memref<!tpu.dma_semaphore, #tpu.memory_space<semaphore_mem>>, %arg11: memref<!tpu.dma_semaphore, #tpu.memory_space<semaphore_mem>>, %arg12: memref<!tpu.dma_semaphore, #tpu.memory_space<semaphore_mem>>, %arg13: memref<!tpu.dma_semaphore, #tpu.memory_space<semaphore_mem>>, %arg14: memref<!tpu.dma_semaphore, #tpu.memory_space<semaphore_mem>>, %arg15: memref<!tpu.dma_semaphore, #tpu.memory_space<semaphore_mem>>, %arg16: memref<!tpu.dma_semaphore, #tpu.memory_space<semaphore_mem>>, %arg17: memref<!tpu.dma_semaphore, #tpu.memory_space<semaphore_mem>>) attributes {dimension_semantics = [#tpu.dimension_semantics<core_parallel>, #tpu.dimension_semantics<subcore_parallel>], iteration_bounds = array<i64: 2, 16>, scalar_prefetch = 0 : i64, scratch_operands = 13 : i64, tpu.core_type = #tpu.core_type<sc_vector_subcore>, window_params = [{transform_indices = #map}, {transform_indices = #map1}, {transform_indices = #map2}]} {
    %mul3A = arith.constant 2 : i32
    %mul3A_0 = arith.muli %arg1, %mul3A : i32
    %add3A = arith.addi %mul3A_0, %arg0 : i32
    %mul3A_1 = arith.constant 16 : i32
    %mul3A_2 = arith.muli %add3A, %mul3A_1 : i32
    %mul3A_3 = arith.constant 256 : i32
    %mul3A_4 = arith.muli %add3A, %mul3A_3 : i32
    "tpu.region"() ({
      %run_scoped3A = tpu.sem_alloc : memref<!tpu.dma_semaphore, #tpu.memory_space<semaphore_mem>>
      %dma_start3A_46 = tpu.memref_slice %arg2[%mul3A_4] : memref<8192xi32, #tpu.memory_space<hbm>> -> memref<256xi32, #tpu.memory_space<hbm>>
      %dma_start3A_47 = tpu.memref_slice %arg2[%mul3A_4] : memref<8192xi32, #tpu.memory_space<hbm>> -> memref<256xi32, #tpu.memory_space<hbm>>
      tpu.enqueue_dma source(%dma_start3A_47 : memref<256xi32, #tpu.memory_space<hbm>>) target(%arg5 : memref<256xi32, #tpu.memory_space<vmem>>) target_semaphore(%run_scoped3A : memref<!tpu.dma_semaphore, #tpu.memory_space<semaphore_mem>>)
      %dma_wait3A_48 = tpu.memref_slice %arg2[%mul3A_4] : memref<8192xi32, #tpu.memory_space<hbm>> -> memref<256xi32, #tpu.memory_space<hbm>>
      %dma_wait3A_49 = tpu.memref_slice %arg2[%mul3A_4] : memref<8192xi32, #tpu.memory_space<hbm>> -> memref<256xi32, #tpu.memory_space<hbm>>
      tpu.wait_dma2 semaphore(%run_scoped3A : memref<!tpu.dma_semaphore, #tpu.memory_space<semaphore_mem>>) src(%dma_wait3A_49 : memref<256xi32, #tpu.memory_space<hbm>>) dst(%arg5 : memref<256xi32, #tpu.memory_space<vmem>>)
      tpu.yield
    }) : () -> ()
    %dma_start3A = arith.constant 0 : i32
    %dma_start3A_5 = tpu.memref_slice %arg5[%dma_start3A] : memref<256xi32, #tpu.memory_space<vmem>> -> memref<16xi32, #tpu.memory_space<vmem>>
    %dma_start3A_6 = arith.constant 0 : i32
    %dma_start3A_7 = arith.constant 0 : i32
    %dma_start3A_8 = tpu.memref_slice %arg3[%dma_start3A_6, %dma_start3A_7] : memref<30522x768xf32, #tpu.memory_space<hbm>> -> memref<30522x768xf32, #tpu.memory_space<hbm>>
    tpu.enqueue_indirect_dma source(%dma_start3A_8 : memref<30522x768xf32, #tpu.memory_space<hbm>>) target(%arg6 : memref<16x768xf32, #tpu.memory_space<vmem>>) offsets(%dma_start3A_5 : memref<16xi32, #tpu.memory_space<vmem>>) semaphore(%arg10 : memref<!tpu.dma_semaphore, #tpu.memory_space<semaphore_mem>>)
    %dma_start3A_9 = arith.constant 16 : i32
    %dma_start3A_10 = tpu.memref_slice %arg5[%dma_start3A_9] : memref<256xi32, #tpu.memory_space<vmem>> -> memref<16xi32, #tpu.memory_space<vmem>>
    %dma_start3A_11 = arith.constant 0 : i32
    %dma_start3A_12 = arith.constant 0 : i32
    %dma_start3A_13 = tpu.memref_slice %arg3[%dma_start3A_11, %dma_start3A_12] : memref<30522x768xf32, #tpu.memory_space<hbm>> -> memref<30522x768xf32, #tpu.memory_space<hbm>>
    tpu.enqueue_indirect_dma source(%dma_start3A_13 : memref<30522x768xf32, #tpu.memory_space<hbm>>) target(%arg7 : memref<16x768xf32, #tpu.memory_space<vmem>>) offsets(%dma_start3A_10 : memref<16xi32, #tpu.memory_space<vmem>>) semaphore(%arg11 : memref<!tpu.dma_semaphore, #tpu.memory_space<semaphore_mem>>)
    %scan3A = arith.constant 0 : i32
    %scan3A_14 = arith.constant 0 : i32
    %scan3A_15 = arith.constant 4 : i32
    %scan3A_16 = arith.addi %scan3A_14, %scan3A_15 : i32
    %scan3A_17 = arith.constant 1 : i32
    scf.for %scan3A_46 = %scan3A_14 to %scan3A_16 step %scan3A_17  : i32 {
      %mul3A_47 = arith.constant 4 : i32
      %mul3A_48 = arith.muli %scan3A_46, %mul3A_47 : i32
      %add3A_49 = arith.constant 0 : i32
      %add3A_50 = arith.addi %mul3A_48, %add3A_49 : i32
      %mul3A_51 = arith.constant 16 : i32
      %mul3A_52 = arith.muli %add3A_50, %mul3A_51 : i32
      %dma_wait3A_53 = tpu.memref_slice %arg5[%mul3A_52] : memref<256xi32, #tpu.memory_space<vmem>> -> memref<16xi32, #tpu.memory_space<vmem>>
      %dma_wait3A_54 = arith.constant 0 : i32
      %dma_wait3A_55 = arith.constant 0 : i32
      %dma_wait3A_56 = tpu.memref_slice %arg3[%dma_wait3A_54, %dma_wait3A_55] : memref<30522x768xf32, #tpu.memory_space<hbm>> -> memref<30522x768xf32, #tpu.memory_space<hbm>>
      tpu.wait_indirect_dma semaphore(%arg10 : memref<!tpu.dma_semaphore, #tpu.memory_space<semaphore_mem>>) src(%dma_wait3A_56 : memref<30522x768xf32, #tpu.memory_space<hbm>>) dst(%arg6 : memref<16x768xf32, #tpu.memory_space<vmem>>)
      %dma_start3A_57 = arith.constant 0 : i32
      %dma_start3A_58 = tpu.memref_slice %arg4[%add3A_50, %mul3A_2, %dma_start3A_57] : memref<16x512x768xf32, #tpu.memory_space<hbm>> -> memref<1x16x768xf32, #tpu.memory_space<hbm>>
      %dma_start3A_59 = tpu.memref_squeeze %dma_start3A_58 : memref<1x16x768xf32, #tpu.memory_space<hbm>> -> memref<16x768xf32, #tpu.memory_space<hbm>>
      %dma_start3A_60 = arith.constant 0 : i32
      %dma_start3A_61 = tpu.memref_slice %arg4[%add3A_50, %mul3A_2, %dma_start3A_60] : memref<16x512x768xf32, #tpu.memory_space<hbm>> -> memref<1x16x768xf32, #tpu.memory_space<hbm>>
      %dma_start3A_62 = tpu.memref_squeeze %dma_start3A_61 : memref<1x16x768xf32, #tpu.memory_space<hbm>> -> memref<16x768xf32, #tpu.memory_space<hbm>>
      tpu.enqueue_dma source(%arg6 : memref<16x768xf32, #tpu.memory_space<vmem>>) target(%dma_start3A_62 : memref<16x768xf32, #tpu.memory_space<hbm>>) target_semaphore(%arg14 : memref<!tpu.dma_semaphore, #tpu.memory_space<semaphore_mem>>)
      %add3A_63 = arith.constant 2 : i32
      %add3A_64 = arith.addi %add3A_50, %add3A_63 : i32
      %lt3A = arith.constant 16 : i32
      %lt3A_65 = arith.cmpi slt, %add3A_64, %lt3A : i32
      %convert_element_type3A = arith.extui %lt3A_65 : i1 to i32
      %cond3A = arith.constant 0 : i32
      %cond3A_66 = arith.cmpi ne, %convert_element_type3A, %cond3A : i32
      scf.if %cond3A_66 {
        %ge3A = arith.constant 2 : i32
        %ge3A_136 = arith.cmpi sge, %add3A_50, %ge3A : i32
        %convert_element_type3A_137 = arith.extui %ge3A_136 : i1 to i32
        %cond3A_138 = arith.constant 0 : i32
        %cond3A_139 = arith.cmpi ne, %convert_element_type3A_137, %cond3A_138 : i32
        scf.if %cond3A_139 {
          %sub3A = arith.constant 2 : i32
          %sub3A_148 = arith.subi %add3A_50, %sub3A : i32
          %dma_wait3A_149 = arith.constant 0 : i32
          %dma_wait3A_150 = tpu.memref_slice %arg4[%sub3A_148, %mul3A_2, %dma_wait3A_149] : memref<16x512x768xf32, #tpu.memory_space<hbm>> -> memref<1x16x768xf32, #tpu.memory_space<hbm>>
          %dma_wait3A_151 = tpu.memref_squeeze %dma_wait3A_150 : memref<1x16x768xf32, #tpu.memory_space<hbm>> -> memref<16x768xf32, #tpu.memory_space<hbm>>
          %dma_wait3A_152 = arith.constant 0 : i32
          %dma_wait3A_153 = tpu.memref_slice %arg4[%sub3A_148, %mul3A_2, %dma_wait3A_152] : memref<16x512x768xf32, #tpu.memory_space<hbm>> -> memref<1x16x768xf32, #tpu.memory_space<hbm>>
          %dma_wait3A_154 = tpu.memref_squeeze %dma_wait3A_153 : memref<1x16x768xf32, #tpu.memory_space<hbm>> -> memref<16x768xf32, #tpu.memory_space<hbm>>
          tpu.wait_dma2 semaphore(%arg16 : memref<!tpu.dma_semaphore, #tpu.memory_space<semaphore_mem>>) src(%arg8 : memref<16x768xf32, #tpu.memory_space<vmem>>) dst(%dma_wait3A_154 : memref<16x768xf32, #tpu.memory_space<hbm>>)
        } else {
        }
        %add3A_140 = arith.constant 2 : i32
        %add3A_141 = arith.addi %add3A_50, %add3A_140 : i32
        %mul3A_142 = arith.constant 16 : i32
        %mul3A_143 = arith.muli %add3A_141, %mul3A_142 : i32
        %dma_start3A_144 = tpu.memref_slice %arg5[%mul3A_143] : memref<256xi32, #tpu.memory_space<vmem>> -> memref<16xi32, #tpu.memory_space<vmem>>
        %dma_start3A_145 = arith.constant 0 : i32
        %dma_start3A_146 = arith.constant 0 : i32
        %dma_start3A_147 = tpu.memref_slice %arg3[%dma_start3A_145, %dma_start3A_146] : memref<30522x768xf32, #tpu.memory_space<hbm>> -> memref<30522x768xf32, #tpu.memory_space<hbm>>
        tpu.enqueue_indirect_dma source(%dma_start3A_147 : memref<30522x768xf32, #tpu.memory_space<hbm>>) target(%arg8 : memref<16x768xf32, #tpu.memory_space<vmem>>) offsets(%dma_start3A_144 : memref<16xi32, #tpu.memory_space<vmem>>) semaphore(%arg12 : memref<!tpu.dma_semaphore, #tpu.memory_space<semaphore_mem>>)
      } else {
      }
      %mul3A_67 = arith.constant 4 : i32
      %mul3A_68 = arith.muli %scan3A_46, %mul3A_67 : i32
      %add3A_69 = arith.constant 1 : i32
      %add3A_70 = arith.addi %mul3A_68, %add3A_69 : i32
      %mul3A_71 = arith.constant 16 : i32
      %mul3A_72 = arith.muli %add3A_70, %mul3A_71 : i32
      %dma_wait3A_73 = tpu.memref_slice %arg5[%mul3A_72] : memref<256xi32, #tpu.memory_space<vmem>> -> memref<16xi32, #tpu.memory_space<vmem>>
      %dma_wait3A_74 = arith.constant 0 : i32
      %dma_wait3A_75 = arith.constant 0 : i32
      %dma_wait3A_76 = tpu.memref_slice %arg3[%dma_wait3A_74, %dma_wait3A_75] : memref<30522x768xf32, #tpu.memory_space<hbm>> -> memref<30522x768xf32, #tpu.memory_space<hbm>>
      tpu.wait_indirect_dma semaphore(%arg11 : memref<!tpu.dma_semaphore, #tpu.memory_space<semaphore_mem>>) src(%dma_wait3A_76 : memref<30522x768xf32, #tpu.memory_space<hbm>>) dst(%arg7 : memref<16x768xf32, #tpu.memory_space<vmem>>)
      %dma_start3A_77 = arith.constant 0 : i32
      %dma_start3A_78 = tpu.memref_slice %arg4[%add3A_70, %mul3A_2, %dma_start3A_77] : memref<16x512x768xf32, #tpu.memory_space<hbm>> -> memref<1x16x768xf32, #tpu.memory_space<hbm>>
      %dma_start3A_79 = tpu.memref_squeeze %dma_start3A_78 : memref<1x16x768xf32, #tpu.memory_space<hbm>> -> memref<16x768xf32, #tpu.memory_space<hbm>>
      %dma_start3A_80 = arith.constant 0 : i32
      %dma_start3A_81 = tpu.memref_slice %arg4[%add3A_70, %mul3A_2, %dma_start3A_80] : memref<16x512x768xf32, #tpu.memory_space<hbm>> -> memref<1x16x768xf32, #tpu.memory_space<hbm>>
      %dma_start3A_82 = tpu.memref_squeeze %dma_start3A_81 : memref<1x16x768xf32, #tpu.memory_space<hbm>> -> memref<16x768xf32, #tpu.memory_space<hbm>>
      tpu.enqueue_dma source(%arg7 : memref<16x768xf32, #tpu.memory_space<vmem>>) target(%dma_start3A_82 : memref<16x768xf32, #tpu.memory_space<hbm>>) target_semaphore(%arg15 : memref<!tpu.dma_semaphore, #tpu.memory_space<semaphore_mem>>)
      %add3A_83 = arith.constant 2 : i32
      %add3A_84 = arith.addi %add3A_70, %add3A_83 : i32
      %lt3A_85 = arith.constant 16 : i32
      %lt3A_86 = arith.cmpi slt, %add3A_84, %lt3A_85 : i32
      %convert_element_type3A_87 = arith.extui %lt3A_86 : i1 to i32
      %cond3A_88 = arith.constant 0 : i32
      %cond3A_89 = arith.cmpi ne, %convert_element_type3A_87, %cond3A_88 : i32
      scf.if %cond3A_89 {
        %ge3A = arith.constant 2 : i32
        %ge3A_136 = arith.cmpi sge, %add3A_70, %ge3A : i32
        %convert_element_type3A_137 = arith.extui %ge3A_136 : i1 to i32
        %cond3A_138 = arith.constant 0 : i32
        %cond3A_139 = arith.cmpi ne, %convert_element_type3A_137, %cond3A_138 : i32
        scf.if %cond3A_139 {
          %sub3A = arith.constant 2 : i32
          %sub3A_148 = arith.subi %add3A_70, %sub3A : i32
          %dma_wait3A_149 = arith.constant 0 : i32
          %dma_wait3A_150 = tpu.memref_slice %arg4[%sub3A_148, %mul3A_2, %dma_wait3A_149] : memref<16x512x768xf32, #tpu.memory_space<hbm>> -> memref<1x16x768xf32, #tpu.memory_space<hbm>>
          %dma_wait3A_151 = tpu.memref_squeeze %dma_wait3A_150 : memref<1x16x768xf32, #tpu.memory_space<hbm>> -> memref<16x768xf32, #tpu.memory_space<hbm>>
          %dma_wait3A_152 = arith.constant 0 : i32
          %dma_wait3A_153 = tpu.memref_slice %arg4[%sub3A_148, %mul3A_2, %dma_wait3A_152] : memref<16x512x768xf32, #tpu.memory_space<hbm>> -> memref<1x16x768xf32, #tpu.memory_space<hbm>>
          %dma_wait3A_154 = tpu.memref_squeeze %dma_wait3A_153 : memref<1x16x768xf32, #tpu.memory_space<hbm>> -> memref<16x768xf32, #tpu.memory_space<hbm>>
          tpu.wait_dma2 semaphore(%arg17 : memref<!tpu.dma_semaphore, #tpu.memory_space<semaphore_mem>>) src(%arg9 : memref<16x768xf32, #tpu.memory_space<vmem>>) dst(%dma_wait3A_154 : memref<16x768xf32, #tpu.memory_space<hbm>>)
        } else {
        }
        %add3A_140 = arith.constant 2 : i32
        %add3A_141 = arith.addi %add3A_70, %add3A_140 : i32
        %mul3A_142 = arith.constant 16 : i32
        %mul3A_143 = arith.muli %add3A_141, %mul3A_142 : i32
        %dma_start3A_144 = tpu.memref_slice %arg5[%mul3A_143] : memref<256xi32, #tpu.memory_space<vmem>> -> memref<16xi32, #tpu.memory_space<vmem>>
        %dma_start3A_145 = arith.constant 0 : i32
        %dma_start3A_146 = arith.constant 0 : i32
        %dma_start3A_147 = tpu.memref_slice %arg3[%dma_start3A_145, %dma_start3A_146] : memref<30522x768xf32, #tpu.memory_space<hbm>> -> memref<30522x768xf32, #tpu.memory_space<hbm>>
        tpu.enqueue_indirect_dma source(%dma_start3A_147 : memref<30522x768xf32, #tpu.memory_space<hbm>>) target(%arg9 : memref<16x768xf32, #tpu.memory_space<vmem>>) offsets(%dma_start3A_144 : memref<16xi32, #tpu.memory_space<vmem>>) semaphore(%arg13 : memref<!tpu.dma_semaphore, #tpu.memory_space<semaphore_mem>>)
      } else {
      }
      %mul3A_90 = arith.constant 4 : i32
      %mul3A_91 = arith.muli %scan3A_46, %mul3A_90 : i32
      %add3A_92 = arith.constant 2 : i32
      %add3A_93 = arith.addi %mul3A_91, %add3A_92 : i32
      %mul3A_94 = arith.constant 16 : i32
      %mul3A_95 = arith.muli %add3A_93, %mul3A_94 : i32
      %dma_wait3A_96 = tpu.memref_slice %arg5[%mul3A_95] : memref<256xi32, #tpu.memory_space<vmem>> -> memref<16xi32, #tpu.memory_space<vmem>>
      %dma_wait3A_97 = arith.constant 0 : i32
      %dma_wait3A_98 = arith.constant 0 : i32
      %dma_wait3A_99 = tpu.memref_slice %arg3[%dma_wait3A_97, %dma_wait3A_98] : memref<30522x768xf32, #tpu.memory_space<hbm>> -> memref<30522x768xf32, #tpu.memory_space<hbm>>
      tpu.wait_indirect_dma semaphore(%arg12 : memref<!tpu.dma_semaphore, #tpu.memory_space<semaphore_mem>>) src(%dma_wait3A_99 : memref<30522x768xf32, #tpu.memory_space<hbm>>) dst(%arg8 : memref<16x768xf32, #tpu.memory_space<vmem>>)
      %dma_start3A_100 = arith.constant 0 : i32
      %dma_start3A_101 = tpu.memref_slice %arg4[%add3A_93, %mul3A_2, %dma_start3A_100] : memref<16x512x768xf32, #tpu.memory_space<hbm>> -> memref<1x16x768xf32, #tpu.memory_space<hbm>>
      %dma_start3A_102 = tpu.memref_squeeze %dma_start3A_101 : memref<1x16x768xf32, #tpu.memory_space<hbm>> -> memref<16x768xf32, #tpu.memory_space<hbm>>
      %dma_start3A_103 = arith.constant 0 : i32
      %dma_start3A_104 = tpu.memref_slice %arg4[%add3A_93, %mul3A_2, %dma_start3A_103] : memref<16x512x768xf32, #tpu.memory_space<hbm>> -> memref<1x16x768xf32, #tpu.memory_space<hbm>>
      %dma_start3A_105 = tpu.memref_squeeze %dma_start3A_104 : memref<1x16x768xf32, #tpu.memory_space<hbm>> -> memref<16x768xf32, #tpu.memory_space<hbm>>
      tpu.enqueue_dma source(%arg8 : memref<16x768xf32, #tpu.memory_space<vmem>>) target(%dma_start3A_105 : memref<16x768xf32, #tpu.memory_space<hbm>>) target_semaphore(%arg16 : memref<!tpu.dma_semaphore, #tpu.memory_space<semaphore_mem>>)
      %add3A_106 = arith.constant 2 : i32
      %add3A_107 = arith.addi %add3A_93, %add3A_106 : i32
      %lt3A_108 = arith.constant 16 : i32
      %lt3A_109 = arith.cmpi slt, %add3A_107, %lt3A_108 : i32
      %convert_element_type3A_110 = arith.extui %lt3A_109 : i1 to i32
      %cond3A_111 = arith.constant 0 : i32
      %cond3A_112 = arith.cmpi ne, %convert_element_type3A_110, %cond3A_111 : i32
      scf.if %cond3A_112 {
        %ge3A = arith.constant 2 : i32
        %ge3A_136 = arith.cmpi sge, %add3A_93, %ge3A : i32
        %convert_element_type3A_137 = arith.extui %ge3A_136 : i1 to i32
        %cond3A_138 = arith.constant 0 : i32
        %cond3A_139 = arith.cmpi ne, %convert_element_type3A_137, %cond3A_138 : i32
        scf.if %cond3A_139 {
          %sub3A = arith.constant 2 : i32
          %sub3A_148 = arith.subi %add3A_93, %sub3A : i32
          %dma_wait3A_149 = arith.constant 0 : i32
          %dma_wait3A_150 = tpu.memref_slice %arg4[%sub3A_148, %mul3A_2, %dma_wait3A_149] : memref<16x512x768xf32, #tpu.memory_space<hbm>> -> memref<1x16x768xf32, #tpu.memory_space<hbm>>
          %dma_wait3A_151 = tpu.memref_squeeze %dma_wait3A_150 : memref<1x16x768xf32, #tpu.memory_space<hbm>> -> memref<16x768xf32, #tpu.memory_space<hbm>>
          %dma_wait3A_152 = arith.constant 0 : i32
          %dma_wait3A_153 = tpu.memref_slice %arg4[%sub3A_148, %mul3A_2, %dma_wait3A_152] : memref<16x512x768xf32, #tpu.memory_space<hbm>> -> memref<1x16x768xf32, #tpu.memory_space<hbm>>
          %dma_wait3A_154 = tpu.memref_squeeze %dma_wait3A_153 : memref<1x16x768xf32, #tpu.memory_space<hbm>> -> memref<16x768xf32, #tpu.memory_space<hbm>>
          tpu.wait_dma2 semaphore(%arg14 : memref<!tpu.dma_semaphore, #tpu.memory_space<semaphore_mem>>) src(%arg6 : memref<16x768xf32, #tpu.memory_space<vmem>>) dst(%dma_wait3A_154 : memref<16x768xf32, #tpu.memory_space<hbm>>)
        } else {
        }
        %add3A_140 = arith.constant 2 : i32
        %add3A_141 = arith.addi %add3A_93, %add3A_140 : i32
        %mul3A_142 = arith.constant 16 : i32
        %mul3A_143 = arith.muli %add3A_141, %mul3A_142 : i32
        %dma_start3A_144 = tpu.memref_slice %arg5[%mul3A_143] : memref<256xi32, #tpu.memory_space<vmem>> -> memref<16xi32, #tpu.memory_space<vmem>>
        %dma_start3A_145 = arith.constant 0 : i32
        %dma_start3A_146 = arith.constant 0 : i32
        %dma_start3A_147 = tpu.memref_slice %arg3[%dma_start3A_145, %dma_start3A_146] : memref<30522x768xf32, #tpu.memory_space<hbm>> -> memref<30522x768xf32, #tpu.memory_space<hbm>>
        tpu.enqueue_indirect_dma source(%dma_start3A_147 : memref<30522x768xf32, #tpu.memory_space<hbm>>) target(%arg6 : memref<16x768xf32, #tpu.memory_space<vmem>>) offsets(%dma_start3A_144 : memref<16xi32, #tpu.memory_space<vmem>>) semaphore(%arg10 : memref<!tpu.dma_semaphore, #tpu.memory_space<semaphore_mem>>)
      } else {
      }
      %mul3A_113 = arith.constant 4 : i32
      %mul3A_114 = arith.muli %scan3A_46, %mul3A_113 : i32
      %add3A_115 = arith.constant 3 : i32
      %add3A_116 = arith.addi %mul3A_114, %add3A_115 : i32
      %mul3A_117 = arith.constant 16 : i32
      %mul3A_118 = arith.muli %add3A_116, %mul3A_117 : i32
      %dma_wait3A_119 = tpu.memref_slice %arg5[%mul3A_118] : memref<256xi32, #tpu.memory_space<vmem>> -> memref<16xi32, #tpu.memory_space<vmem>>
      %dma_wait3A_120 = arith.constant 0 : i32
      %dma_wait3A_121 = arith.constant 0 : i32
      %dma_wait3A_122 = tpu.memref_slice %arg3[%dma_wait3A_120, %dma_wait3A_121] : memref<30522x768xf32, #tpu.memory_space<hbm>> -> memref<30522x768xf32, #tpu.memory_space<hbm>>
      tpu.wait_indirect_dma semaphore(%arg13 : memref<!tpu.dma_semaphore, #tpu.memory_space<semaphore_mem>>) src(%dma_wait3A_122 : memref<30522x768xf32, #tpu.memory_space<hbm>>) dst(%arg9 : memref<16x768xf32, #tpu.memory_space<vmem>>)
      %dma_start3A_123 = arith.constant 0 : i32
      %dma_start3A_124 = tpu.memref_slice %arg4[%add3A_116, %mul3A_2, %dma_start3A_123] : memref<16x512x768xf32, #tpu.memory_space<hbm>> -> memref<1x16x768xf32, #tpu.memory_space<hbm>>
      %dma_start3A_125 = tpu.memref_squeeze %dma_start3A_124 : memref<1x16x768xf32, #tpu.memory_space<hbm>> -> memref<16x768xf32, #tpu.memory_space<hbm>>
      %dma_start3A_126 = arith.constant 0 : i32
      %dma_start3A_127 = tpu.memref_slice %arg4[%add3A_116, %mul3A_2, %dma_start3A_126] : memref<16x512x768xf32, #tpu.memory_space<hbm>> -> memref<1x16x768xf32, #tpu.memory_space<hbm>>
      %dma_start3A_128 = tpu.memref_squeeze %dma_start3A_127 : memref<1x16x768xf32, #tpu.memory_space<hbm>> -> memref<16x768xf32, #tpu.memory_space<hbm>>
      tpu.enqueue_dma source(%arg9 : memref<16x768xf32, #tpu.memory_space<vmem>>) target(%dma_start3A_128 : memref<16x768xf32, #tpu.memory_space<hbm>>) target_semaphore(%arg17 : memref<!tpu.dma_semaphore, #tpu.memory_space<semaphore_mem>>)
      %add3A_129 = arith.constant 2 : i32
      %add3A_130 = arith.addi %add3A_116, %add3A_129 : i32
      %lt3A_131 = arith.constant 16 : i32
      %lt3A_132 = arith.cmpi slt, %add3A_130, %lt3A_131 : i32
      %convert_element_type3A_133 = arith.extui %lt3A_132 : i1 to i32
      %cond3A_134 = arith.constant 0 : i32
      %cond3A_135 = arith.cmpi ne, %convert_element_type3A_133, %cond3A_134 : i32
      scf.if %cond3A_135 {
        %ge3A = arith.constant 2 : i32
        %ge3A_136 = arith.cmpi sge, %add3A_116, %ge3A : i32
        %convert_element_type3A_137 = arith.extui %ge3A_136 : i1 to i32
        %cond3A_138 = arith.constant 0 : i32
        %cond3A_139 = arith.cmpi ne, %convert_element_type3A_137, %cond3A_138 : i32
        scf.if %cond3A_139 {
          %sub3A = arith.constant 2 : i32
          %sub3A_148 = arith.subi %add3A_116, %sub3A : i32
          %dma_wait3A_149 = arith.constant 0 : i32
          %dma_wait3A_150 = tpu.memref_slice %arg4[%sub3A_148, %mul3A_2, %dma_wait3A_149] : memref<16x512x768xf32, #tpu.memory_space<hbm>> -> memref<1x16x768xf32, #tpu.memory_space<hbm>>
          %dma_wait3A_151 = tpu.memref_squeeze %dma_wait3A_150 : memref<1x16x768xf32, #tpu.memory_space<hbm>> -> memref<16x768xf32, #tpu.memory_space<hbm>>
          %dma_wait3A_152 = arith.constant 0 : i32
          %dma_wait3A_153 = tpu.memref_slice %arg4[%sub3A_148, %mul3A_2, %dma_wait3A_152] : memref<16x512x768xf32, #tpu.memory_space<hbm>> -> memref<1x16x768xf32, #tpu.memory_space<hbm>>
          %dma_wait3A_154 = tpu.memref_squeeze %dma_wait3A_153 : memref<1x16x768xf32, #tpu.memory_space<hbm>> -> memref<16x768xf32, #tpu.memory_space<hbm>>
          tpu.wait_dma2 semaphore(%arg15 : memref<!tpu.dma_semaphore, #tpu.memory_space<semaphore_mem>>) src(%arg7 : memref<16x768xf32, #tpu.memory_space<vmem>>) dst(%dma_wait3A_154 : memref<16x768xf32, #tpu.memory_space<hbm>>)
        } else {
        }
        %add3A_140 = arith.constant 2 : i32
        %add3A_141 = arith.addi %add3A_116, %add3A_140 : i32
        %mul3A_142 = arith.constant 16 : i32
        %mul3A_143 = arith.muli %add3A_141, %mul3A_142 : i32
        %dma_start3A_144 = tpu.memref_slice %arg5[%mul3A_143] : memref<256xi32, #tpu.memory_space<vmem>> -> memref<16xi32, #tpu.memory_space<vmem>>
        %dma_start3A_145 = arith.constant 0 : i32
        %dma_start3A_146 = arith.constant 0 : i32
        %dma_start3A_147 = tpu.memref_slice %arg3[%dma_start3A_145, %dma_start3A_146] : memref<30522x768xf32, #tpu.memory_space<hbm>> -> memref<30522x768xf32, #tpu.memory_space<hbm>>
        tpu.enqueue_indirect_dma source(%dma_start3A_147 : memref<30522x768xf32, #tpu.memory_space<hbm>>) target(%arg7 : memref<16x768xf32, #tpu.memory_space<vmem>>) offsets(%dma_start3A_144 : memref<16xi32, #tpu.memory_space<vmem>>) semaphore(%arg11 : memref<!tpu.dma_semaphore, #tpu.memory_space<semaphore_mem>>)
      } else {
      }
    }
    %scan3A_18 = arith.constant 4 : i32
    %dma_wait3A = arith.constant 12 : i32
    %dma_wait3A_19 = arith.constant 0 : i32
    %dma_wait3A_20 = tpu.memref_slice %arg4[%dma_wait3A, %mul3A_2, %dma_wait3A_19] : memref<16x512x768xf32, #tpu.memory_space<hbm>> -> memref<1x16x768xf32, #tpu.memory_space<hbm>>
    %dma_wait3A_21 = tpu.memref_squeeze %dma_wait3A_20 : memref<1x16x768xf32, #tpu.memory_space<hbm>> -> memref<16x768xf32, #tpu.memory_space<hbm>>
    %dma_wait3A_22 = arith.constant 0 : i32
    %dma_wait3A_23 = tpu.memref_slice %arg4[%dma_wait3A, %mul3A_2, %dma_wait3A_22] : memref<16x512x768xf32, #tpu.memory_space<hbm>> -> memref<1x16x768xf32, #tpu.memory_space<hbm>>
    %dma_wait3A_24 = tpu.memref_squeeze %dma_wait3A_23 : memref<1x16x768xf32, #tpu.memory_space<hbm>> -> memref<16x768xf32, #tpu.memory_space<hbm>>
    tpu.wait_dma2 semaphore(%arg14 : memref<!tpu.dma_semaphore, #tpu.memory_space<semaphore_mem>>) src(%arg6 : memref<16x768xf32, #tpu.memory_space<vmem>>) dst(%dma_wait3A_24 : memref<16x768xf32, #tpu.memory_space<hbm>>)
    %dma_wait3A_25 = arith.constant 13 : i32
    %dma_wait3A_26 = arith.constant 0 : i32
    %dma_wait3A_27 = tpu.memref_slice %arg4[%dma_wait3A_25, %mul3A_2, %dma_wait3A_26] : memref<16x512x768xf32, #tpu.memory_space<hbm>> -> memref<1x16x768xf32, #tpu.memory_space<hbm>>
    %dma_wait3A_28 = tpu.memref_squeeze %dma_wait3A_27 : memref<1x16x768xf32, #tpu.memory_space<hbm>> -> memref<16x768xf32, #tpu.memory_space<hbm>>
    %dma_wait3A_29 = arith.constant 0 : i32
    %dma_wait3A_30 = tpu.memref_slice %arg4[%dma_wait3A_25, %mul3A_2, %dma_wait3A_29] : memref<16x512x768xf32, #tpu.memory_space<hbm>> -> memref<1x16x768xf32, #tpu.memory_space<hbm>>
    %dma_wait3A_31 = tpu.memref_squeeze %dma_wait3A_30 : memref<1x16x768xf32, #tpu.memory_space<hbm>> -> memref<16x768xf32, #tpu.memory_space<hbm>>
    tpu.wait_dma2 semaphore(%arg15 : memref<!tpu.dma_semaphore, #tpu.memory_space<semaphore_mem>>) src(%arg7 : memref<16x768xf32, #tpu.memory_space<vmem>>) dst(%dma_wait3A_31 : memref<16x768xf32, #tpu.memory_space<hbm>>)
    %dma_wait3A_32 = arith.constant 14 : i32
    %dma_wait3A_33 = arith.constant 0 : i32
    %dma_wait3A_34 = tpu.memref_slice %arg4[%dma_wait3A_32, %mul3A_2, %dma_wait3A_33] : memref<16x512x768xf32, #tpu.memory_space<hbm>> -> memref<1x16x768xf32, #tpu.memory_space<hbm>>
    %dma_wait3A_35 = tpu.memref_squeeze %dma_wait3A_34 : memref<1x16x768xf32, #tpu.memory_space<hbm>> -> memref<16x768xf32, #tpu.memory_space<hbm>>
    %dma_wait3A_36 = arith.constant 0 : i32
    %dma_wait3A_37 = tpu.memref_slice %arg4[%dma_wait3A_32, %mul3A_2, %dma_wait3A_36] : memref<16x512x768xf32, #tpu.memory_space<hbm>> -> memref<1x16x768xf32, #tpu.memory_space<hbm>>
    %dma_wait3A_38 = tpu.memref_squeeze %dma_wait3A_37 : memref<1x16x768xf32, #tpu.memory_space<hbm>> -> memref<16x768xf32, #tpu.memory_space<hbm>>
    tpu.wait_dma2 semaphore(%arg16 : memref<!tpu.dma_semaphore, #tpu.memory_space<semaphore_mem>>) src(%arg8 : memref<16x768xf32, #tpu.memory_space<vmem>>) dst(%dma_wait3A_38 : memref<16x768xf32, #tpu.memory_space<hbm>>)
    %dma_wait3A_39 = arith.constant 15 : i32
    %dma_wait3A_40 = arith.constant 0 : i32
    %dma_wait3A_41 = tpu.memref_slice %arg4[%dma_wait3A_39, %mul3A_2, %dma_wait3A_40] : memref<16x512x768xf32, #tpu.memory_space<hbm>> -> memref<1x16x768xf32, #tpu.memory_space<hbm>>
    %dma_wait3A_42 = tpu.memref_squeeze %dma_wait3A_41 : memref<1x16x768xf32, #tpu.memory_space<hbm>> -> memref<16x768xf32, #tpu.memory_space<hbm>>
    %dma_wait3A_43 = arith.constant 0 : i32
    %dma_wait3A_44 = tpu.memref_slice %arg4[%dma_wait3A_39, %mul3A_2, %dma_wait3A_43] : memref<16x512x768xf32, #tpu.memory_space<hbm>> -> memref<1x16x768xf32, #tpu.memory_space<hbm>>
    %dma_wait3A_45 = tpu.memref_squeeze %dma_wait3A_44 : memref<1x16x768xf32, #tpu.memory_space<hbm>> -> memref<16x768xf32, #tpu.memory_space<hbm>>
    tpu.wait_dma2 semaphore(%arg17 : memref<!tpu.dma_semaphore, #tpu.memory_space<semaphore_mem>>) src(%arg9 : memref<16x768xf32, #tpu.memory_space<vmem>>) dst(%dma_wait3A_45 : memref<16x768xf32, #tpu.memory_space<hbm>>)
    return
  }
}

module attributes {stable_mosaic.version = 14 : i64} {
  func.func @_tc_ln_body(%arg0: i32, %arg1: memref<1x512x768xf32, #tpu.memory_space<vmem>>, %arg2: memref<512x768xf32, #tpu.memory_space<vmem>>, %arg3: memref<32x768xf32, #tpu.memory_space<vmem>>, %arg4: memref<768xf32, #tpu.memory_space<vmem>>, %arg5: memref<768xf32, #tpu.memory_space<vmem>>, %arg6: memref<1x512x768xf32, #tpu.memory_space<vmem>>) attributes {dimension_semantics = [#tpu.dimension_semantics<arbitrary>], iteration_bounds = array<i64: 16>, scalar_prefetch = 0 : i64, scratch_operands = 0 : i64, tpu.core_type = #tpu.core_type<tc>, window_params = [{transform_indices = @transform_0, window_bounds = array<i64: 1, 512, 768>}, {pipeline_mode = #tpu.pipeline_mode<synchronous>, transform_indices = @transform_1, window_bounds = array<i64: 512, 768>}, {pipeline_mode = #tpu.pipeline_mode<synchronous>, transform_indices = @transform_2, window_bounds = array<i64: 32, 768>}, {pipeline_mode = #tpu.pipeline_mode<synchronous>, transform_indices = @transform_3, window_bounds = array<i64: 768>}, {pipeline_mode = #tpu.pipeline_mode<synchronous>, transform_indices = @transform_4, window_bounds = array<i64: 768>}, {transform_indices = @transform_5, window_bounds = array<i64: 1, 512, 768>}]} {
    %get3A = arith.constant 0 : index
    %get3A_0 = arith.constant 0 : index
    %get3A_1 = arith.constant 0 : index
    %get3A_2 = vector.load %arg1[%get3A, %get3A_0, %get3A_1] : memref<1x512x768xf32, #tpu.memory_space<vmem>>, vector<1x512x768xf32>
    %get3A_3 = vector.shape_cast %get3A_2 : vector<1x512x768xf32> to vector<512x768xf32>
    %iota3A = tpu.iota {dimensions = array<i32: 0>} : vector<32x1xi32>
    %ge3A = arith.constant 1 : i32
    %ge3A_4 = vector.broadcast %ge3A : i32 to vector<32x1xi32>
    %ge3A_5 = arith.cmpi sge, %iota3A, %ge3A_4 : vector<32x1xi32>
    %lt3A = arith.constant 21 : i32
    %lt3A_6 = vector.broadcast %lt3A : i32 to vector<32x1xi32>
    %lt3A_7 = arith.cmpi slt, %iota3A, %lt3A_6 : vector<32x1xi32>
    %and3A = arith.andi %ge3A_5, %lt3A_7 : vector<32x1xi1>
    %get3A_8 = arith.constant 0 : index
    %get3A_9 = arith.constant 0 : index
    %get3A_10 = vector.load %arg3[%get3A_8, %get3A_9] : memref<32x768xf32, #tpu.memory_space<vmem>>, vector<32x768xf32>
    %slice3A = vector.extract_strided_slice %get3A_3 {offsets = [0, 0], sizes = [32, 768], strides = [1, 1]} : vector<512x768xf32> to vector<32x768xf32>
    %broadcast_in_dim3A = vector.shape_cast %and3A : vector<32x1xi1> to vector<32x1xi1>
    %broadcast_in_dim3A_11 = vector.broadcast %broadcast_in_dim3A : vector<32x1xi1> to vector<32x768xi1>
    %select_n3A = arith.select %broadcast_in_dim3A_11, %get3A_10, %slice3A : vector<32x768xi1>, vector<32x768xf32>
    %slice3A_12 = vector.extract_strided_slice %get3A_3 {offsets = [32, 0], sizes = [480, 768], strides = [1, 1]} : vector<512x768xf32> to vector<480x768xf32>
    %concatenate3A = tpu.concatenate %select_n3A, %slice3A_12 in 0 : vector<32x768xf32>, vector<480x768xf32> -> vector<512x768xf32>
    %get3A_13 = arith.constant 0 : index
    %get3A_14 = arith.constant 0 : index
    %get3A_15 = vector.load %arg2[%get3A_13, %get3A_14] : memref<512x768xf32, #tpu.memory_space<vmem>>, vector<512x768xf32>
    %add3A = arith.addf %concatenate3A, %get3A_15 : vector<512x768xf32>
    %reduce_sum3A = arith.constant dense<0.000000e+00> : vector<512xf32>
    %reduce_sum3A_16 = vector.multi_reduction <add>, %add3A, %reduce_sum3A [1] : vector<512x768xf32> to vector<512xf32>
    %broadcast_in_dim3A_17 = vector.shape_cast %reduce_sum3A_16 : vector<512xf32> to vector<512x1xf32>
    %div3A = arith.constant 7.680000e+02 : f32
    %div3A_18 = vector.broadcast %div3A : f32 to vector<512x1xf32>
    %div3A_19 = arith.divf %broadcast_in_dim3A_17, %div3A_18 : vector<512x1xf32>
    %sub3A = vector.broadcast %div3A_19 : vector<512x1xf32> to vector<512x768xf32>
    %sub3A_20 = arith.subf %add3A, %sub3A : vector<512x768xf32>
    %mul3A = arith.mulf %sub3A_20, %sub3A_20 : vector<512x768xf32>
    %reduce_sum3A_21 = arith.constant dense<0.000000e+00> : vector<512xf32>
    %reduce_sum3A_22 = vector.multi_reduction <add>, %mul3A, %reduce_sum3A_21 [1] : vector<512x768xf32> to vector<512xf32>
    %broadcast_in_dim3A_23 = vector.shape_cast %reduce_sum3A_22 : vector<512xf32> to vector<512x1xf32>
    %div3A_24 = arith.constant 7.680000e+02 : f32
    %div3A_25 = vector.broadcast %div3A_24 : f32 to vector<512x1xf32>
    %div3A_26 = arith.divf %broadcast_in_dim3A_23, %div3A_25 : vector<512x1xf32>
    %add3A_27 = arith.constant 9.99999996E-13 : f32
    %add3A_28 = vector.broadcast %add3A_27 : f32 to vector<512x1xf32>
    %add3A_29 = arith.addf %div3A_26, %add3A_28 : vector<512x1xf32>
    %rsqrt3A = math.rsqrt %add3A_29 : vector<512x1xf32>
    %mul3A_30 = vector.broadcast %rsqrt3A : vector<512x1xf32> to vector<512x768xf32>
    %mul3A_31 = arith.mulf %sub3A_20, %mul3A_30 : vector<512x768xf32>
    %get3A_32 = arith.constant 0 : index
    %get3A_33 = vector.load %arg4[%get3A_32] : memref<768xf32, #tpu.memory_space<vmem>>, vector<768xf32>
    %broadcast_in_dim3A_34 = vector.shape_cast %get3A_33 : vector<768xf32> to vector<1x768xf32>
    %mul3A_35 = vector.broadcast %broadcast_in_dim3A_34 : vector<1x768xf32> to vector<512x768xf32>
    %mul3A_36 = arith.mulf %mul3A_31, %mul3A_35 : vector<512x768xf32>
    %get3A_37 = arith.constant 0 : index
    %get3A_38 = vector.load %arg5[%get3A_37] : memref<768xf32, #tpu.memory_space<vmem>>, vector<768xf32>
    %broadcast_in_dim3A_39 = vector.shape_cast %get3A_38 : vector<768xf32> to vector<1x768xf32>
    %add3A_40 = vector.broadcast %broadcast_in_dim3A_39 : vector<1x768xf32> to vector<512x768xf32>
    %add3A_41 = arith.addf %mul3A_36, %add3A_40 : vector<512x768xf32>
    %swap3A = arith.constant 0 : index
    %swap3A_42 = arith.constant 0 : index
    %swap3A_43 = arith.constant 0 : index
    %swap3A_44 = vector.load %arg6[%swap3A, %swap3A_42, %swap3A_43] : memref<1x512x768xf32, #tpu.memory_space<vmem>>, vector<1x512x768xf32>
    %swap3A_45 = vector.shape_cast %swap3A_44 : vector<1x512x768xf32> to vector<512x768xf32>
    %swap3A_46 = vector.shape_cast %add3A_41 : vector<512x768xf32> to vector<1x512x768xf32>
    tpu.vector_store %arg6[%swap3A, %swap3A_42, %swap3A_43], %swap3A_46 {strides = array<i32>} : memref<1x512x768xf32, #tpu.memory_space<vmem>>, vector<1x512x768xf32>,
    return
  }
  func.func @transform_0(%arg0: i32) -> (i32, i32, i32) {
    %c0_i32 = arith.constant 0 : i32
    %c0_i32_0 = arith.constant 0 : i32
    %c0_i32_1 = arith.constant 0 : i32
    return %arg0, %c0_i32, %c0_i32_0 : i32, i32, i32
  }
  func.func @transform_1(%arg0: i32) -> (i32, i32) {
    %c0_i32 = arith.constant 0 : i32
    %c0_i32_0 = arith.constant 0 : i32
    %c0_i32_1 = arith.constant 0 : i32
    return %c0_i32, %c0_i32_0 : i32, i32
  }
  func.func @transform_2(%arg0: i32) -> (i32, i32) {
    %c0_i32 = arith.constant 0 : i32
    %c0_i32_0 = arith.constant 0 : i32
    %c0_i32_1 = arith.constant 0 : i32
    return %c0_i32, %c0_i32_0 : i32, i32
  }
  func.func @transform_3(%arg0: i32) -> i32 {
    %c0_i32 = arith.constant 0 : i32
    %c0_i32_0 = arith.constant 0 : i32
    return %c0_i32 : i32
  }
  func.func @transform_4(%arg0: i32) -> i32 {
    %c0_i32 = arith.constant 0 : i32
    %c0_i32_0 = arith.constant 0 : i32
    return %c0_i32 : i32
  }
  func.func @transform_5(%arg0: i32) -> (i32, i32, i32) {
    %add3A = arith.constant 0 : i32
    %add3A_0 = arith.addi %arg0, %add3A : i32
    %c0_i32 = arith.constant 0 : i32
    %c0_i32_1 = arith.constant 0 : i32
    %c0_i32_2 = arith.constant 0 : i32
    return %add3A_0, %c0_i32, %c0_i32_1 : i32, i32, i32
  }
}

module attributes {stable_mosaic.version = 14 : i64} {
  func.func @_tc_ln_body(%arg0: i32, %arg1: memref<32x512x768xf32, #tpu.memory_space<any>>, %arg2: memref<1x512x768xf32, #tpu.memory_space<vmem>>, %arg3: memref<512x768xf32, #tpu.memory_space<vmem>>, %arg4: memref<32x768xf32, #tpu.memory_space<vmem>>, %arg5: memref<768xf32, #tpu.memory_space<vmem>>, %arg6: memref<768xf32, #tpu.memory_space<vmem>>, %arg7: memref<1x512x768xf32, #tpu.memory_space<vmem>>) attributes {dimension_semantics = [#tpu.dimension_semantics<arbitrary>], iteration_bounds = array<i64: 16>, scalar_prefetch = 0 : i64, scratch_operands = 0 : i64, tpu.core_type = #tpu.core_type<tc>, window_params = [{}, {transform_indices = @transform_1, window_bounds = array<i64: 1, 512, 768>}, {pipeline_mode = #tpu.pipeline_mode<synchronous>, transform_indices = @transform_2, window_bounds = array<i64: 512, 768>}, {pipeline_mode = #tpu.pipeline_mode<synchronous>, transform_indices = @transform_3, window_bounds = array<i64: 32, 768>}, {pipeline_mode = #tpu.pipeline_mode<synchronous>, transform_indices = @transform_4, window_bounds = array<i64: 768>}, {pipeline_mode = #tpu.pipeline_mode<synchronous>, transform_indices = @transform_5, window_bounds = array<i64: 768>}, {transform_indices = @transform_6, window_bounds = array<i64: 1, 512, 768>}]} {
    %get3A = arith.constant 0 : index
    %get3A_0 = arith.constant 0 : index
    %get3A_1 = arith.constant 0 : index
    %get3A_2 = vector.load %arg2[%get3A, %get3A_0, %get3A_1] : memref<1x512x768xf32, #tpu.memory_space<vmem>>, vector<1x512x768xf32>
    %get3A_3 = vector.shape_cast %get3A_2 : vector<1x512x768xf32> to vector<512x768xf32>
    %iota3A = tpu.iota {dimensions = array<i32: 0>} : vector<32x1xi32>
    %ge3A = arith.constant 1 : i32
    %ge3A_4 = vector.broadcast %ge3A : i32 to vector<32x1xi32>
    %ge3A_5 = arith.cmpi sge, %iota3A, %ge3A_4 : vector<32x1xi32>
    %lt3A = arith.constant 21 : i32
    %lt3A_6 = vector.broadcast %lt3A : i32 to vector<32x1xi32>
    %lt3A_7 = arith.cmpi slt, %iota3A, %lt3A_6 : vector<32x1xi32>
    %and3A = arith.andi %ge3A_5, %lt3A_7 : vector<32x1xi1>
    %get3A_8 = arith.constant 0 : index
    %get3A_9 = arith.constant 0 : index
    %get3A_10 = vector.load %arg4[%get3A_8, %get3A_9] : memref<32x768xf32, #tpu.memory_space<vmem>>, vector<32x768xf32>
    %slice3A = vector.extract_strided_slice %get3A_3 {offsets = [0, 0], sizes = [32, 768], strides = [1, 1]} : vector<512x768xf32> to vector<32x768xf32>
    %broadcast_in_dim3A = vector.shape_cast %and3A : vector<32x1xi1> to vector<32x1xi1>
    %broadcast_in_dim3A_11 = vector.broadcast %broadcast_in_dim3A : vector<32x1xi1> to vector<32x768xi1>
    %select_n3A = arith.select %broadcast_in_dim3A_11, %get3A_10, %slice3A : vector<32x768xi1>, vector<32x768xf32>
    %slice3A_12 = vector.extract_strided_slice %get3A_3 {offsets = [32, 0], sizes = [480, 768], strides = [1, 1]} : vector<512x768xf32> to vector<480x768xf32>
    %concatenate3A = tpu.concatenate %select_n3A, %slice3A_12 in 0 : vector<32x768xf32>, vector<480x768xf32> -> vector<512x768xf32>
    %get3A_13 = arith.constant 0 : index
    %get3A_14 = arith.constant 0 : index
    %get3A_15 = vector.load %arg3[%get3A_13, %get3A_14] : memref<512x768xf32, #tpu.memory_space<vmem>>, vector<512x768xf32>
    %add3A = arith.addf %concatenate3A, %get3A_15 : vector<512x768xf32>
    %reduce_sum3A = arith.constant dense<0.000000e+00> : vector<512xf32>
    %reduce_sum3A_16 = vector.multi_reduction <add>, %add3A, %reduce_sum3A [1] : vector<512x768xf32> to vector<512xf32>
    %broadcast_in_dim3A_17 = vector.shape_cast %reduce_sum3A_16 : vector<512xf32> to vector<512x1xf32>
    %div3A = arith.constant 7.680000e+02 : f32
    %div3A_18 = vector.broadcast %div3A : f32 to vector<512x1xf32>
    %div3A_19 = arith.divf %broadcast_in_dim3A_17, %div3A_18 : vector<512x1xf32>
    %sub3A = vector.broadcast %div3A_19 : vector<512x1xf32> to vector<512x768xf32>
    %sub3A_20 = arith.subf %add3A, %sub3A : vector<512x768xf32>
    %mul3A = arith.mulf %sub3A_20, %sub3A_20 : vector<512x768xf32>
    %reduce_sum3A_21 = arith.constant dense<0.000000e+00> : vector<512xf32>
    %reduce_sum3A_22 = vector.multi_reduction <add>, %mul3A, %reduce_sum3A_21 [1] : vector<512x768xf32> to vector<512xf32>
    %broadcast_in_dim3A_23 = vector.shape_cast %reduce_sum3A_22 : vector<512xf32> to vector<512x1xf32>
    %div3A_24 = arith.constant 7.680000e+02 : f32
    %div3A_25 = vector.broadcast %div3A_24 : f32 to vector<512x1xf32>
    %div3A_26 = arith.divf %broadcast_in_dim3A_23, %div3A_25 : vector<512x1xf32>
    %add3A_27 = arith.constant 9.99999996E-13 : f32
    %add3A_28 = vector.broadcast %add3A_27 : f32 to vector<512x1xf32>
    %add3A_29 = arith.addf %div3A_26, %add3A_28 : vector<512x1xf32>
    %rsqrt3A = math.rsqrt %add3A_29 : vector<512x1xf32>
    %mul3A_30 = vector.broadcast %rsqrt3A : vector<512x1xf32> to vector<512x768xf32>
    %mul3A_31 = arith.mulf %sub3A_20, %mul3A_30 : vector<512x768xf32>
    %get3A_32 = arith.constant 0 : index
    %get3A_33 = vector.load %arg5[%get3A_32] : memref<768xf32, #tpu.memory_space<vmem>>, vector<768xf32>
    %broadcast_in_dim3A_34 = vector.shape_cast %get3A_33 : vector<768xf32> to vector<1x768xf32>
    %mul3A_35 = vector.broadcast %broadcast_in_dim3A_34 : vector<1x768xf32> to vector<512x768xf32>
    %mul3A_36 = arith.mulf %mul3A_31, %mul3A_35 : vector<512x768xf32>
    %get3A_37 = arith.constant 0 : index
    %get3A_38 = vector.load %arg6[%get3A_37] : memref<768xf32, #tpu.memory_space<vmem>>, vector<768xf32>
    %broadcast_in_dim3A_39 = vector.shape_cast %get3A_38 : vector<768xf32> to vector<1x768xf32>
    %add3A_40 = vector.broadcast %broadcast_in_dim3A_39 : vector<1x768xf32> to vector<512x768xf32>
    %add3A_41 = arith.addf %mul3A_36, %add3A_40 : vector<512x768xf32>
    %swap3A = arith.constant 0 : index
    %swap3A_42 = arith.constant 0 : index
    %swap3A_43 = arith.constant 0 : index
    %swap3A_44 = vector.load %arg7[%swap3A, %swap3A_42, %swap3A_43] : memref<1x512x768xf32, #tpu.memory_space<vmem>>, vector<1x512x768xf32>
    %swap3A_45 = vector.shape_cast %swap3A_44 : vector<1x512x768xf32> to vector<512x768xf32>
    %swap3A_46 = vector.shape_cast %add3A_41 : vector<512x768xf32> to vector<1x512x768xf32>
    tpu.vector_store %arg7[%swap3A, %swap3A_42, %swap3A_43], %swap3A_46 {strides = array<i32>} : memref<1x512x768xf32, #tpu.memory_space<vmem>>, vector<1x512x768xf32>,
    return
  }
  func.func @transform_1(%arg0: i32) -> (i32, i32, i32) {
    %c0_i32 = arith.constant 0 : i32
    %c0_i32_0 = arith.constant 0 : i32
    %c0_i32_1 = arith.constant 0 : i32
    return %arg0, %c0_i32, %c0_i32_0 : i32, i32, i32
  }
  func.func @transform_2(%arg0: i32) -> (i32, i32) {
    %c0_i32 = arith.constant 0 : i32
    %c0_i32_0 = arith.constant 0 : i32
    %c0_i32_1 = arith.constant 0 : i32
    return %c0_i32, %c0_i32_0 : i32, i32
  }
  func.func @transform_3(%arg0: i32) -> (i32, i32) {
    %c0_i32 = arith.constant 0 : i32
    %c0_i32_0 = arith.constant 0 : i32
    %c0_i32_1 = arith.constant 0 : i32
    return %c0_i32, %c0_i32_0 : i32, i32
  }
  func.func @transform_4(%arg0: i32) -> i32 {
    %c0_i32 = arith.constant 0 : i32
    %c0_i32_0 = arith.constant 0 : i32
    return %c0_i32 : i32
  }
  func.func @transform_5(%arg0: i32) -> i32 {
    %c0_i32 = arith.constant 0 : i32
    %c0_i32_0 = arith.constant 0 : i32
    return %c0_i32 : i32
  }
  func.func @transform_6(%arg0: i32) -> (i32, i32, i32) {
    %add3A = arith.constant 16 : i32
    %add3A_0 = arith.addi %arg0, %add3A : i32
    %c0_i32 = arith.constant 0 : i32
    %c0_i32_1 = arith.constant 0 : i32
    %c0_i32_2 = arith.constant 0 : i32
    return %add3A_0, %c0_i32, %c0_i32_1 : i32, i32, i32
  }
}

</mosaic_0001>

<sc_bundles>
// kernel: kernel.6.cloned.1.call-start
scs
__scs_entry_jumppad:
0x0: {  	(pc) =	sbr.rel $0x88, $3  }
0x1: {  	(tag) =	ssettag $0x0;
	lr =	simm.s32 $0x1  }
0x2: {  	[smem:$0x3F9A] =	sst lr;
	_ =	strace $0xD0000000  }
0x3: {  	_ = 	snop  }
0x4: {  	_ = 	snop  }
0x5: {  	_ = 	snop  }
0x6: {  	_ = 	snop  }
0x7: {  	_ = 	snop  }
__scs_overlays_trampoline_lowered:
0x8: {  	[smem:$0x3FA9] =	sst s0  }
0x9: {  	[smem:$0x3FAA] =	sst s1  }
0xa: {  	[smem:$0x3FAB] =	sst s2  }
0xb: {  	[smem:$0x3FAC] =	sst s3  }
0xc: {  	[smem:$0x3FAD] =	sst s4  }
0xd: {  	[smem:$0x3FAE] =	sst s5  }
0xe: {  	[smem:$0x3FAF] =	sst s6  }
0xf: {  	[smem:$0x3FB0] =	sst s7  }
0x10: {  	[smem:$0x3FB1] =	sst s8  }
0x11: {  	[smem:$0x3FB2] =	sst s9;
	s0 =	simm.s32 @!p0 $0x0  }
0x12: {  	s1 =	sld [smem:$0x3F98];
	s0 =	simm.s32 @p0 $0x1  }
0x13: {  	[smem:$0x3FB3] =	sst s0;
	s0 =	simm.s32 @!p1 $0x0  }
0x14: {  	s2 =	sld [smem:$0x3F97];
	s0 =	simm.s32 @p1 $0x1  }
0x15: {  	[smem:$0x3FB4] =	sst s0;
	s0 =	simm.s32 @!p2 $0x0  }
0x16: {  	s3 =	sld [smem:$0x3FDB];
	s0 =	simm.s32 @p2 $0x1  }
0x17: {  	s4 =	simm.s32 $0x1BF5;
	[smem:$0x3FB6] =	sst s0  }
0x18: {  	s0 =	sld [smem:$0x3F99];
	_ =	swait.ge [sflag:s4], $0x0  }
0x19: {  	s7 =	sld [smem:$0x3F9A]  }
0x1a: {  	s8 =	sadd.s32 $0xFFFFE003, lr  }
0x1b: {  	s9 =	sadd.s32 $0xFFFFFEF7, lr;
	s5 =	simm.s32 $0xFFFFFFFF;
	p2 =	slt.u32 s8, $0xFFFFF086  }
0x1c: {  	p1 =	slt.u32 s9, $0xF7A;
	s5 =	simm.s32 @!p2 $0x0  }
0x1d: {  	s5 =	simm.s32 @p1 $0x1;
	p0 =	seq.s32 s7, s2  }
0x1e: {  	s7 =	smul.u32 @!p0 $0xF7A, s2;
	p2 =	seq.s32 @!p0 s5, $0x0  }
0x1f: {  	s9 =	smul.u32 $0xF7A, s1;
	s8 =	simm.s32 @!p0 $0x1BF5;
	p2 =	por !p2, p0  }
0x20: {  	[sflag:s8] =	ssyncset.s32 @!p0 $0xFFFFF086;
	s6 =	sadd.s32 @!p0 s3, s7;
	s7 =	simm.s32 @!p0 $0x108  }
0x21: {  	s3 =	sadd.s32 s3, s9;
	s6 =	sadd.s32 @!p0 $0x88, s6;
	s7 =	simm.s32 @p2 $0x1082  }
0x22: {  	[simem:s7], [sflag:s8] =	dma.local @!p0 [hbm:s6], $0xF7A  }
0x23: {  	s9 =	sor.u32 $0xD0000000, s2;
	s6 =	simm.s32 $0x108;
	_ =	swait.ge @!p0 [sflag:s8], $0x0  }
0x24: {  	s3 =	sadd.s32 $0x88, s3;
	s6 =	simm.s32 @!p1 $0x1082;
	[sflag:s4] =	ssyncset.s32 $0xFFFFF086  }
0x25: {  	[simem:s6], [sflag:s4] =	dma.local [hbm:s3], $0xF7A  }
0x26: {  	[smem:$0x3F9A] =	sst s1;
	(tag) =	ssettag s2;
	_ =	strace s9  }
0x27: {  	s1 =	sld [smem:$0x3FAA]  }
0x28: {  	s2 =	sld [smem:$0x3FAB]  }
0x29: {  	s4 =	sld [smem:$0x3FAD]  }
0x2a: {  	p0 =	seq.s32 s5, $0x0;
	s5 =	sld [smem:$0x3FAE]  }
0x2b: {  	s6 =	sld [smem:$0x3FAF]  }
0x2c: {  	s7 =	sld [smem:$0x3FB0]  }
0x2d: {  	s3 =	simm.s32 $0x108;
	s8 =	sld [smem:$0x3FB1]  }
0x2e: {  	s3 =	simm.s32 @!p0 $0x1082;
	s9 =	sld [smem:$0x3FB2]  }
0x2f: {  	lr =	sadd.s32 s0, s3;
	s0 =	sld [smem:$0x3FA9]  }
0x30: {  	s3 =	sld [smem:$0x3FAC]  }
0x31: {  	[smem:$0x3FB5] =	sst s10  }
0x32: {  	s10 =	sld [smem:$0x3FB3];
	_ =	sdelay $0x3  }
0x33: {  	p0 =	seq.s32 s10, $0x1;
	s10 =	sld [smem:$0x3FB5];
	_ =	sdelay $0x3  }
0x34: {  	[smem:$0x3FB5] =	sst s10  }
0x35: {  	s10 =	sld [smem:$0x3FB4];
	_ =	sdelay $0x3  }
0x36: {  	p1 =	seq.s32 s10, $0x1;
	s10 =	sld [smem:$0x3FB5];
	_ =	sdelay $0x3  }
0x37: {  	[smem:$0x3FB5] =	sst s10  }
0x38: {  	s10 =	sld [smem:$0x3FB6]  }
0x39: {  	_ = 	snop;
	(pc) =	sbr.ind lr, $3  }
0x3a: {  	_ = 	snop  }
0x3b: {  	_ = 	snop  }
0x3c: {  	p2 =	seq.s32 s10, $0x1;
	s10 =	sld [smem:$0x3FB5]  }
0x3d: {  	_ =	shalt  }
0x3e: {  	_ =	shalt  }
0x3f: {  	_ =	shalt  }
0x40: {  	_ =	shalt  }
0x41: {  	_ =	shalt  }
0x42: {  	_ =	shalt  }
0x43: {  	_ =	shalt  }
0x44: {  	_ =	shalt  }
0x45: {  	_ =	shalt  }
0x46: {  	_ =	shalt  }
0x47: {  	_ =	shalt  }
0x48: {  	_ =	shalt  }
0x49: {  	_ =	shalt  }
0x4a: {  	_ =	shalt  }
0x4b: {  	_ =	shalt  }
0x4c: {  	_ =	shalt  }
0x4d: {  	_ =	shalt  }
0x4e: {  	_ =	shalt  }
0x4f: {  	_ =	shalt  }
0x50: {  	_ =	shalt  }
0x51: {  	_ =	shalt  }
0x52: {  	_ =	shalt  }
0x53: {  	_ =	shalt  }
0x54: {  	_ =	shalt  }
0x55: {  	_ =	shalt  }
0x56: {  	_ =	shalt  }
0x57: {  	_ =	shalt  }
0x58: {  	_ =	shalt  }
0x59: {  	_ =	shalt  }
0x5a: {  	_ =	shalt  }
0x5b: {  	_ =	shalt  }
0x5c: {  	_ =	shalt  }
0x5d: {  	_ =	shalt  }
0x5e: {  	_ =	shalt  }
0x5f: {  	_ =	shalt  }
0x60: {  	_ =	shalt  }
0x61: {  	_ =	shalt  }
0x62: {  	_ =	shalt  }
0x63: {  	_ =	shalt  }
0x64: {  	_ =	shalt  }
0x65: {  	_ =	shalt  }
0x66: {  	_ =	shalt  }
0x67: {  	_ =	shalt  }
0x68: {  	_ =	shalt  }
0x69: {  	_ =	shalt  }
0x6a: {  	_ =	shalt  }
0x6b: {  	_ =	shalt  }
0x6c: {  	_ =	shalt  }
0x6d: {  	_ =	shalt  }
0x6e: {  	_ =	shalt  }
0x6f: {  	_ =	shalt  }
0x70: {  	_ =	shalt  }
0x71: {  	_ =	shalt  }
0x72: {  	_ =	shalt  }
0x73: {  	_ =	shalt  }
0x74: {  	_ =	shalt  }
0x75: {  	_ =	shalt  }
0x76: {  	_ =	shalt  }
0x77: {  	_ =	shalt  }
0x78: {  	_ =	shalt  }
0x79: {  	_ =	shalt  }
0x7a: {  	_ =	shalt  }
0x7b: {  	_ =	shalt  }
0x7c: {  	_ =	shalt  }
0x7d: {  	_ =	shalt  }
0x7e: {  	_ =	shalt  }
0x7f: {  	_ =	shalt  }
0x80: {  	_ =	shalt  }
0x81: {  	_ =	shalt  }
0x82: {  	_ =	shalt  }
0x83: {  	_ =	shalt  }
0x84: {  	_ =	shalt  }
0x85: {  	_ =	shalt  }
0x86: {  	_ =	shalt  }
0x87: {  	_ =	shalt  }
.Lfunc_end0:
.L_simem_size_0:
called_computation_lowered:
.L_overlay_start_0:
0x88: {  	s2 =	sld [smem:$0x3FD9]  }
0x89: {  	s3 =	sld [smem:$0x3FFE];
	_ =	sdelay $0x1  }
0x8a: {  	s1 =	srdreg.scid  }
0x8b: {  	s0 =	sand.u32 $0x1, s1  }
0x8c: {  	s17 =	sshll.u32 s0, $0xA;
	s2 =	sadd.s32 s3, s2  }
0x8d: {  	s2 =	sadd.s32 s2, s17  }
0x8e: {  	[smem:$0x3FC1] =	sst s2  }
0x8f: {  	_ = 	snop  }
0x90: {  	s2 =	sld [smem:$0x3FC8]  }
0x91: {  	s18 =	sld [smem:$0x3FD0];
	(tm) =	ssettm $0x1  }
0x92: {  	s4 =	sld [smem:$0x3FFB];
	_ =	sdelay $0x3  }
0x93: {  	_ =	strace s4  }
0x94: {  	s4 =	sld [smem:$0x3FFC];
	_ =	sdelay $0x3  }
0x95: {  	_ =	strace s4  }
0x96: {  	s4 =	sld [smem:$0x3FFD];
	_ =	sdelay $0x3  }
0x97: {  	_ =	strace s4  }
0x98: {  	_ =	strace $0x8FFFFFFF  }
0x99: {  	s19 =	sld [smem:$0x3FDB];
	_ =	sdelay $0x1  }
0x9a: {  	s5 =	simm.s32 $_scs_section_size  }
0x9b: {  	s6 =	simm.s32 $_size__tile_overlayer_lowered;
	s7 =	simm.s32 $_tile_overlayer_lowered  }
0x9c: {  	s22 =	simm.s32 $0x1BFF;
	s21 =	sshll.u32 s7, $0x1;
	s4 =	sadd.s32 s5, s19  }
0x9d: {  	s8 =	simm.s32 $0x0;
	s20 =	sshll.u32 s6, $0x1;
	s6 =	sadd.s32 s21, s4  }
0x9e: {  	[timem:s8], [sflag:s22] =	dma.local [hbm:s6], s20  }
0x9f: {  	_ =	swait.ge [sflag:s22], s20  }
0xa0: {  	s5 =	ssub.s32 $0x0, s20;
	[sflag:s22] =	ssyncset.done $0x0  }
0xa1: {  	[sflag:s22] =	ssyncadd.s32 s5;
	_ =	sdelay $0x1  }
0xa2: {  	s23 =	simm.s32 $0x1B8B  }
0xa3: {  	_ =	swait.ge [sflag:s23], $0x1  }
0xa4: {  	[sflag:s23] =	ssyncset.done $0x0  }
0xa5: {  	s25 =	simm.s32 $0x1B8E;
	s24 =	sld [smem:$0x3FFE];
	[sflag:s23] =	ssyncadd.s32 $0xFFFFFFFF  }
0xa6: {  	s26 =	simm.s32 $execute0_lowered;
	[smem:$0x3FD2] =	sst s25  }
0xa7: {  	s6 =	sshll.u32 s26, $0x1;
	_ =	strace $0x80000046;
	[dreg:$0x1] =	wrdreg $0xFFFFFFFF  }
0xa8: {  	s28 =	simm.s32 $_size_execute0_lowered;
	s4 =	sadd.s32 s4, s6;
	[dreg:$0x0] =	wrdreg $0x0  }
0xa9: {  	s6 =	sshll.u32 s28, $0x1;
	[dreg:$0x2] =	wrdreg s4  }
0xaa: {  	[dreg:$0x3] =	wrdreg s6  }
0xab: {  	[dreg:$0x4] =	wrdreg $0xC0  }
0xac: {  	_ =	task [dreg:s8], $0x5FFFF  }
0xad: {  	[dreg:$0x1] =	wrdreg $0xFFFFFFFF  }
0xae: {  	[dreg:$0x0] =	wrdreg $0x60  }
0xaf: {  	[dreg:$0x2] =	wrdreg s18  }
0xb0: {  	[dreg:$0x3] =	wrdreg s2  }
0xb1: {  	[dreg:$0x4] =	wrdreg s24  }
0xb2: {  	[dreg:$0x5] =	wrdreg $0x9  }
0xb3: {  	_ =	task.clear_ibuf [dreg:s8], $0x6FFFF;
	_ =	strace $0x90000046  }
0xb4: {  	s29 =	simm.s32 $0x9;
	_ =	strace $0x80000048  }
0xb5: {  	_ =	swait.ge [sflag:s29], $0x1  }
0xb6: {  	[sflag:s29] =	ssyncadd.s32 $0xFFFFFFFF  }
0xb7: {  	_ =	strace $0x90000048  }
0xb8: {  	_ =	sfence  }
0xb9: {  	s30 =	sld [smem:$0x0];
	_ =	sdelay $0x2  }
0xba: {  	s31 =	sshll.u32 s1, $0xD;
	s1 =	sshrl.u32 s1, $0x2  }
0xbb: {  	s3 =	sand.u32 $0x4000, s31;
	s1 =	sadd.s32 s1, s30  }
0xbc: {  	s0 =	sor.u32 s3, s0;
	s1 =	sshll.u32 s1, $0x11  }
0xbd: {  	s0 =	sor.u32 s1, s0  }
0xbe: {  	s0 =	sadd.s32 $0x8F2B, s0  }
0xbf: {  	[sflag:s0] =	ssyncadd.remote.s32 $0x1  }
0xc0: {  	_ =	sfence.sel $0xFFFF  }
0xc1: {  	[dreg:$0x0] =	wrdreg $0xFFFFFFFF;
	(pc) =	sbr.abs _section_cstart, $3  }
0xc2: {  	[dreg:$0x1] =	wrdreg $0xFFFFFFFF  }
0xc3: {  	_ =	task.clear_ibuf [dreg:s8], $0x2FFFF;
	_ =	strace $0x9FFFFFFF  }
0xc4: {  	(tm) =	ssettm $0x7FFFFFFF  }
0xc5: {  	_ =	shalt  }
tec
execute0_lowered:
.L_overlay_start_1:
0x0: {  	(tag) =	ssettag $0x1  }
0x1: {  	s0 =	rddreg [dreg:$0x0]  }
0x2: {  	s2 =	rddreg [dreg:$0x1]  }
0x3: {  	s1 =	rddreg [dreg:$0x2]  }
0x4: {  	s4 =	srdreg.scid;
	s9 =	stileid.u32;
	s3 =	simm.s32 $0x0  }
0x5: {  	s19 =	simm.s32 $0x3100;
	s28 =	simm.s32 $0x6900;
	s29 =	simm.s32 $0x7100  }
0x6: {  	s30 =	simm.s32 $0x7900;
	s31 =	simm.s32 $0x8100;
	s14 =	simm.s32 $0x9100  }
0x7: {  	s15 =	simm.s32 $0x9900;
	s16 =	simm.s32 $0xA100;
	s17 =	simm.s32 $0xA900  }
0x8: {  	s18 =	simm.s32 $0xB100;
	s12 =	simm.s32 $0x4;
	s4 =	sand.u32 $0x1, s4  }
0x9: {  	s5 =	smul.u32 $0x6000, s9;
	[smem:$0x7FF] =	sst s3;
	s1 =	sadd.s32 $0x1000, s1  }
0xa: {  	s9 =	sshll.u32 s9, $0x6;
	s6 =	ssub.s32 $0x2, s4;
	s7 =	smul.u32 $0x3000, s4  }
0xb: {  	_ =	strace $0x80000047;
	s4 =	sshll.u32 s4, $0x5;
	s8 =	sshrl.u32 s6, $0x1  }
0xc: {  	s4 =	sor.u32 s4, s9;
	s7 =	sadd.s32 s7, s5;
	s8 =	ssub.s32 s6, s8  }
0xd: {  	s0 =	sadd.s32 s0, s4;
	s5 =	sadd.s32 $0x100, s2;
	s6 =	sadd.s32 $0x200, s2  }
0xe: {  	s4 =	simm.s32 $0xB900;
	s20 =	sadd.s32 $0x60000, s7;
	[dreg:$0x4] =	wrdreg s0  }
0xf: {  	s22 =	smax.u32 s8, $0x1;
	s23 =	sshrl.u32 s7, $0x3;
	s24 =	sadd.s32 $0x120000, s7  }
0x10: {  	s7 =	sadd.s32 $0xC0000, s7;
	s0 =	simm.s32 $0x8900;
	s21 =	sshrl.u32 s20, $0x3  }
.Ltmp0:
0x11: {  	[dreg:$0x5] =	wrdreg s22;
	s9 =	sadd.s32 s23, s1;
	(pc) =	sbr.rel .LBB2_1-.Ltmp0, $4  }
0x12: {  	s25 =	sshrl.u32 s24, $0x3;
	s26 =	sshrl.u32 s7, $0x3;
	s24 =	simm.s32 $0x5900  }
0x13: {  	v2 =	vlaneseq.u32;
	s7 =	simm.s32 $0x3;
	s20 =	simm.s32 $0x6;
	s22 =	simm.s32 $0x0  }
0x14: {  	vm0 =	vmmov $0xffff;
	v1 =	vshrl.u32 v2, $0x3;
	s8 =	sadd.s32 s21, s1;
	s10 =	sadd.s32 s25, s1;
	s11 =	sadd.s32 s26, s1  }
0x15: {  	v0 =	vand.u32 $0x7, v2;
	v2 =	vor.u32 $0x8, v2;
	v1 =	vmul.u32 $0x8, v1;
	s25 =	simm.s32 $0x1;
	s26 =	simm.s32 $0x6100;
	s1 =	simm.s32 $0x2  }
.LBB2_4:
0x16: {  	s13 =	simm.s32 $0x5  }
0x17: {  	_ =	swait.ge [sflag:s13], $0x3000  }
0x18: {  	[sflag:s13] =	ssyncset.done $0x0  }
0x19: {  	[sflag:s13] =	ssyncadd.s32 $0xFFFFD000  }
0x1a: {  	_ =	swait.ge [sflag:s20], $0x3000  }
0x1b: {  	[sflag:s20] =	ssyncset.done $0x0  }
0x1c: {  	s22 =	simm.s32 $0x7;
	[sflag:s20] =	ssyncadd.s32 $0xFFFFD000  }
0x1d: {  	_ =	swait.ge [sflag:s22], $0x3000  }
0x1e: {  	[sflag:s22] =	ssyncset.done $0x0  }
0x1f: {  	s21 =	simm.s32 $0x8;
	[sflag:s22] =	ssyncadd.s32 $0xFFFFD000  }
0x20: {  	_ =	swait.ge [sflag:s21], $0x3000  }
0x21: {  	s22 =	rddreg [dreg:$0x6]  }
0x22: {  	s23 =	rddreg [dreg:$0x5];
	s22 =	sadd.s32 $0x1, s22  }
0x23: {  	p0 =	sne.s32 s22, s23  }
.Ltmp1:
0x24: {  	_ = 	snop;
	(pc) =	sbr.rel @!p0 .LBB2_5-.Ltmp1, $3  }
0x25: {  	_ =	sdelay $0x1  }
0x26: {  	[sflag:s21] =	ssyncset.done $0x0  }
0x27: {  	[sflag:s21] =	ssyncadd.s32 $0xFFFFD000  }
.LBB2_1:
0x28: {  	[dreg:$0x6] =	wrdreg s22  }
0x29: {  	s13 =	rddreg [dreg:$0x4];
	s22 =	simm.s32 $0x9  }
0x2a: {  	[tilespmem:s3], [sflag:$0x9] =	stream.linear.gather [hbm4b:s13+s3], $0x100, $0x38;
	[tilespmem:$0xC100] =	vst v63  }
0x2b: {  	_ =	swait.ge [sflag:s22], $0x100  }
0x2c: {  	[sflag:s22] =	ssyncset.done $0x0  }
0x2d: {  	[sflag:s22] =	ssyncadd.s32 $0xFFFFFF00  }
0x2e: {  	v3 =	vld [tilespmem:$0x0];
	_ =	sdelay $0x4  }
0x2f: {  	v4 =	vshrl.u32 v3, $0x3  }
0x30: {  	v4 =	vmul.u32 $0x30, v4  }
0x31: {  	v3 =	vand.u32 $0x7, v3  }
0x32: {  	v3 =	vor.u32 v3, v4  }
0x33: {  	v4 =	vperm.xlane v3, v0;
	_ =	sdelay $0x1  }
0x34: {  	v4 =	vadd.s32 v1, v4;
	_ =	sdelay $0x3  }
0x35: {  	s23 =	simm.s32 $0x100;
	v3 =	vperm.xlane v3, v2  }
0x36: {  	[tilespmem:s23], [sflag:$0x1] =	stream.indirect_vreg.gather [hbm4b:s2+s3], $0x80, v4, vm0, $0xb8;
	[tilespmem:$0xC100] =	vst v63  }
0x37: {  	s21 =	simm.s32 $0x900;
	v3 =	vadd.s32 v1, v3  }
0x38: {  	[tilespmem:s21], [sflag:$0x1] =	stream.indirect_vreg.gather [hbm4b:s5+s3], $0x80, v4, vm0, $0xb8;
	[tilespmem:$0xC100] =	vst v63  }
0x39: {  	s22 =	simm.s32 $0x1100  }
0x3a: {  	[tilespmem:s22], [sflag:$0x1] =	stream.indirect_vreg.gather [hbm4b:s6+s3], $0x80, v4, vm0, $0xb8;
	[tilespmem:$0xC100] =	vst v63  }
0x3b: {  	s23 =	simm.s32 $0x1900  }
0x3c: {  	[tilespmem:s23], [sflag:$0x1] =	stream.indirect_vreg.gather [hbm4b:s2+s3], $0x80, v3, vm0, $0xb8;
	[tilespmem:$0xC100] =	vst v63  }
0x3d: {  	s21 =	simm.s32 $0x2100  }
0x3e: {  	[tilespmem:s21], [sflag:$0x1] =	stream.indirect_vreg.gather [hbm4b:s5+s3], $0x80, v3, vm0, $0xb8;
	[tilespmem:$0xC100] =	vst v63  }
0x3f: {  	s22 =	simm.s32 $0x2900  }
0x40: {  	[tilespmem:s22], [sflag:$0x1] =	stream.indirect_vreg.gather [hbm4b:s6+s3], $0x80, v3, vm0, $0xb8;
	[tilespmem:$0xC100] =	vst v63  }
0x41: {  	v3 =	vld [tilespmem:$0x10];
	_ =	sdelay $0x4  }
0x42: {  	v63 =	vshrl.u32 v3, $0x3  }
0x43: {  	v4 =	vmul.u32 $0x30, v63  }
0x44: {  	v3 =	vand.u32 $0x7, v3  }
0x45: {  	v3 =	vor.u32 v3, v4  }
0x46: {  	v4 =	vperm.xlane v3, v0;
	_ =	sdelay $0x1  }
0x47: {  	v4 =	vadd.s32 v1, v4;
	_ =	sdelay $0x3  }
0x48: {  	v3 =	vperm.xlane v3, v2  }
0x49: {  	[tilespmem:s19], [sflag:$0x2] =	stream.indirect_vreg.gather [hbm4b:s2+s3], $0x80, v4, vm0, $0xb8;
	[tilespmem:$0xC100] =	vst v63  }
0x4a: {  	s23 =	simm.s32 $0x3900;
	v3 =	vadd.s32 v1, v3  }
0x4b: {  	[tilespmem:s23], [sflag:$0x2] =	stream.indirect_vreg.gather [hbm4b:s5+s3], $0x80, v4, vm0, $0xb8;
	[tilespmem:$0xC100] =	vst v63  }
0x4c: {  	s21 =	simm.s32 $0x4100  }
0x4d: {  	[tilespmem:s21], [sflag:$0x2] =	stream.indirect_vreg.gather [hbm4b:s6+s3], $0x80, v4, vm0, $0xb8;
	[tilespmem:$0xC100] =	vst v63  }
0x4e: {  	s22 =	simm.s32 $0x4900  }
0x4f: {  	[tilespmem:s22], [sflag:$0x2] =	stream.indirect_vreg.gather [hbm4b:s2+s3], $0x80, v3, vm0, $0xb8;
	[tilespmem:$0xC100] =	vst v63  }
0x50: {  	s23 =	simm.s32 $0x5100  }
0x51: {  	[tilespmem:s23], [sflag:$0x2] =	stream.indirect_vreg.gather [hbm4b:s5+s3], $0x80, v3, vm0, $0xb8;
	[tilespmem:$0xC100] =	vst v63  }
0x52: {  	s13 =	simm.s32 $0x30;
	s21 =	simm.s32 $0x0  }
0x53: {  	[tilespmem:s24], [sflag:$0x2] =	stream.indirect_vreg.gather [hbm4b:s6+s3], $0x80, v3, vm0, $0xb8;
	[tilespmem:$0xC100] =	vst v63  }
.LBB2_2:
0x54: {  	_ =	swait.ge [sflag:s25], $0x3000  }
0x55: {  	s22 =	sadd.s32 s21, s9;
	[sflag:s25] =	ssyncset.done $0x0  }
0x56: {  	s23 =	simm.s32 $0x100;
	p0 =	seq.s32 s21, $0x0;
	[sflag:s25] =	ssyncadd.s32 $0xFFFFD000  }
0x57: {  	[hbm4b:s22+s3] =	stream.linear.scatter [tilespmem:s23], [sflag:$0x5], $0x3000, $0x38;
	[tilespmem:$0xC100] =	vst v63  }
0x58: {  	s22 =	simm.s32 @!p0 $0x7  }
0x59: {  	_ =	swait.ge @!p0 [sflag:s22], $0x3000  }
0x5a: {  	[sflag:s22] =	ssyncset.done @!p0 $0x0  }
0x5b: {  	[sflag:s22] =	ssyncadd.s32 @!p0 $0xFFFFD000  }
0x5c: {  	v3 =	vld [tilespmem:s13+$0xFFFFFFF0];
	_ =	sdelay $0x4  }
0x5d: {  	v4 =	vshrl.u32 v3, $0x3  }
0x5e: {  	v4 =	vmul.u32 $0x30, v4  }
0x5f: {  	v3 =	vand.u32 $0x7, v3  }
0x60: {  	v3 =	vor.u32 v3, v4  }
0x61: {  	v4 =	vperm.xlane v3, v0;
	_ =	sdelay $0x1  }
0x62: {  	v4 =	vadd.s32 v1, v4;
	_ =	sdelay $0x3  }
0x63: {  	v3 =	vperm.xlane v3, v2  }
0x64: {  	[tilespmem:s26], [sflag:$0x3] =	stream.indirect_vreg.gather [hbm4b:s2+s3], $0x80, v4, vm0, $0xb8;
	[tilespmem:$0xC100] =	vst v63  }
0x65: {  	v3 =	vadd.s32 v1, v3  }
0x66: {  	[tilespmem:s28], [sflag:$0x3] =	stream.indirect_vreg.gather [hbm4b:s5+s3], $0x80, v4, vm0, $0xb8;
	[tilespmem:$0xC100] =	vst v63  }
0x67: {  	_ = 	snop  }
0x68: {  	[tilespmem:s29], [sflag:$0x3] =	stream.indirect_vreg.gather [hbm4b:s6+s3], $0x80, v4, vm0, $0xb8;
	[tilespmem:$0xC100] =	vst v63  }
0x69: {  	_ = 	snop  }
0x6a: {  	[tilespmem:s30], [sflag:$0x3] =	stream.indirect_vreg.gather [hbm4b:s2+s3], $0x80, v3, vm0, $0xb8;
	[tilespmem:$0xC100] =	vst v63  }
0x6b: {  	_ = 	snop  }
0x6c: {  	[tilespmem:s31], [sflag:$0x3] =	stream.indirect_vreg.gather [hbm4b:s5+s3], $0x80, v3, vm0, $0xb8;
	[tilespmem:$0xC100] =	vst v63  }
0x6d: {  	_ = 	snop  }
0x6e: {  	[tilespmem:s0], [sflag:$0x3] =	stream.indirect_vreg.gather [hbm4b:s6+s3], $0x80, v3, vm0, $0xb8;
	[tilespmem:$0xC100] =	vst v63  }
0x6f: {  	_ =	swait.ge [sflag:s1], $0x3000  }
0x70: {  	[sflag:s1] =	ssyncset.done $0x0  }
0x71: {  	s23 =	sadd.s32 s21, s8;
	s22 =	simm.s32 @!p0 $0x8;
	[sflag:s1] =	ssyncadd.s32 $0xFFFFD000  }
0x72: {  	[hbm4b:s23+s3] =	stream.linear.scatter [tilespmem:s19], [sflag:$0x6], $0x3000, $0x38;
	[tilespmem:$0xC100] =	vst v63  }
0x73: {  	_ =	swait.ge @!p0 [sflag:s22], $0x3000  }
0x74: {  	[sflag:s22] =	ssyncset.done @!p0 $0x0  }
0x75: {  	[sflag:s22] =	ssyncadd.s32 @!p0 $0xFFFFD000  }
0x76: {  	v3 =	vld [tilespmem:s13+$0x0];
	_ =	sdelay $0x4  }
0x77: {  	v63 =	vshrl.u32 v3, $0x3  }
0x78: {  	v4 =	vmul.u32 $0x30, v63  }
0x79: {  	v3 =	vand.u32 $0x7, v3  }
0x7a: {  	v3 =	vor.u32 v3, v4  }
0x7b: {  	v4 =	vperm.xlane v3, v0;
	_ =	sdelay $0x1  }
0x7c: {  	v4 =	vadd.s32 v1, v4;
	_ =	sdelay $0x3  }
0x7d: {  	v3 =	vperm.xlane v3, v2  }
0x7e: {  	[tilespmem:s14], [sflag:$0x4] =	stream.indirect_vreg.gather [hbm4b:s2+s3], $0x80, v4, vm0, $0xb8;
	[tilespmem:$0xC100] =	vst v63  }
0x7f: {  	v3 =	vadd.s32 v1, v3  }
0x80: {  	[tilespmem:s15], [sflag:$0x4] =	stream.indirect_vreg.gather [hbm4b:s5+s3], $0x80, v4, vm0, $0xb8;
	[tilespmem:$0xC100] =	vst v63  }
0x81: {  	_ = 	snop  }
0x82: {  	[tilespmem:s16], [sflag:$0x4] =	stream.indirect_vreg.gather [hbm4b:s6+s3], $0x80, v4, vm0, $0xb8;
	[tilespmem:$0xC100] =	vst v63  }
0x83: {  	_ = 	snop  }
0x84: {  	[tilespmem:s17], [sflag:$0x4] =	stream.indirect_vreg.gather [hbm4b:s2+s3], $0x80, v3, vm0, $0xb8;
	[tilespmem:$0xC100] =	vst v63  }
0x85: {  	_ = 	snop  }
0x86: {  	[tilespmem:s18], [sflag:$0x4] =	stream.indirect_vreg.gather [hbm4b:s5+s3], $0x80, v3, vm0, $0xb8;
	[tilespmem:$0xC100] =	vst v63  }
0x87: {  	_ = 	snop  }
0x88: {  	[tilespmem:s4], [sflag:$0x4] =	stream.indirect_vreg.gather [hbm4b:s6+s3], $0x80, v3, vm0, $0xb8;
	[tilespmem:$0xC100] =	vst v63  }
0x89: {  	_ =	swait.ge [sflag:s7], $0x3000  }
0x8a: {  	p0 =	seq.s32 s21, $0x90000;
	[sflag:s7] =	ssyncset.done $0x0  }
0x8b: {  	s23 =	sadd.s32 s21, s11;
	s22 =	simm.s32 @!p0 $0x5;
	[sflag:s7] =	ssyncadd.s32 $0xFFFFD000  }
0x8c: {  	[hbm4b:s23+s3] =	stream.linear.scatter [tilespmem:s26], [sflag:$0x7], $0x3000, $0x38;
	[tilespmem:$0xC100] =	vst v63  }
0x8d: {  	_ =	swait.ge @!p0 [sflag:s22], $0x3000  }
0x8e: {  	[sflag:s22] =	ssyncset.done @!p0 $0x0  }
0x8f: {  	[sflag:s22] =	ssyncadd.s32 @!p0 $0xFFFFD000  }
0x90: {  	v3 =	vld @!p0 [tilespmem:s13+$0x10];
	_ =	sdelay $0x4  }
0x91: {  	v4 =	vshrl.u32 @!p0 v3, $0x3  }
0x92: {  	v4 =	vmul.u32 @!p0 $0x30, v4  }
0x93: {  	v5 =	vlaneseq.u32 @!p0;
	v3 =	vand.u32 @!p0 $0x7, v3  }
0x94: {  	v6 =	vshrl.u32 @!p0 v5, $0x3;
	v3 =	vor.u32 @!p0 v3, v4;
	v4 =	vand.u32 @!p0 $0x7, v5  }
0x95: {  	v6 =	vmul.u32 @!p0 $0x8, v6;
	v4 =	vperm.xlane @!p0 v3, v4;
	_ =	sdelay $0x1  }
0x96: {  	v4 =	vadd.s32 @!p0 v6, v4;
	_ =	sdelay $0x2  }
0x97: {  	v5 =	vor.u32 @!p0 $0x8, v5  }
0x98: {  	vm1 =	vmmov @!p0 $0xffff;
	s23 =	simm.s32 @!p0 $0x100;
	s22 =	simm.s32 @!p0 $0x0;
	v3 =	vperm.xlane @!p0 v3, v5  }
0x99: {  	[tilespmem:s23], [sflag:$0x1] =	stream.indirect_vreg.gather @!p0 [hbm4b:s2+s22], $0x80, v4, vm1, $0xb8;
	[tilespmem:$0xC100] =	vst v63  }
0x9a: {  	v3 =	vadd.s32 @!p0 v6, v3;
	s23 =	simm.s32 @!p0 $0x900  }
0x9b: {  	[tilespmem:s23], [sflag:$0x1] =	stream.indirect_vreg.gather @!p0 [hbm4b:s5+s22], $0x80, v4, vm1, $0xb8;
	[tilespmem:$0xC100] =	vst v63  }
0x9c: {  	s23 =	simm.s32 @!p0 $0x1100  }
0x9d: {  	[tilespmem:s23], [sflag:$0x1] =	stream.indirect_vreg.gather @!p0 [hbm4b:s6+s22], $0x80, v4, vm1, $0xb8;
	[tilespmem:$0xC100] =	vst v63  }
0x9e: {  	s23 =	simm.s32 @!p0 $0x1900  }
0x9f: {  	[tilespmem:s23], [sflag:$0x1] =	stream.indirect_vreg.gather @!p0 [hbm4b:s2+s22], $0x80, v3, vm1, $0xb8;
	[tilespmem:$0xC100] =	vst v63  }
0xa0: {  	s23 =	simm.s32 @!p0 $0x2100  }
0xa1: {  	[tilespmem:s23], [sflag:$0x1] =	stream.indirect_vreg.gather @!p0 [hbm4b:s5+s22], $0x80, v3, vm1, $0xb8;
	[tilespmem:$0xC100] =	vst v63  }
0xa2: {  	s23 =	simm.s32 @!p0 $0x2900  }
0xa3: {  	[tilespmem:s23], [sflag:$0x1] =	stream.indirect_vreg.gather @!p0 [hbm4b:s6+s22], $0x80, v3, vm1, $0xb8;
	[tilespmem:$0xC100] =	vst v63  }
.Ltmp2:
0xa4: {  	_ = 	snop;
	(pc) =	sbr.rel @p0 .LBB2_4-.Ltmp2, $4  }
0xa5: {  	_ =	swait.ge [sflag:s12], $0x3000  }
0xa6: {  	[sflag:s12] =	ssyncset.done $0x0  }
0xa7: {  	s23 =	sadd.s32 s21, s10;
	[sflag:s12] =	ssyncadd.s32 $0xFFFFD000  }
0xa8: {  	[hbm4b:s23+s3] =	stream.linear.scatter [tilespmem:s14], [sflag:$0x8], $0x3000, $0x38;
	[tilespmem:$0xC100] =	vst v63  }
0xa9: {  	_ =	swait.ge [sflag:s20], $0x3000  }
0xaa: {  	[sflag:s20] =	ssyncset.done $0x0  }
0xab: {  	[sflag:s20] =	ssyncadd.s32 $0xFFFFD000  }
0xac: {  	v3 =	vld [tilespmem:s13+$0x20];
	_ =	sdelay $0x4  }
0xad: {  	v4 =	vshrl.u32 v3, $0x3  }
0xae: {  	v4 =	vmul.u32 $0x30, v4  }
0xaf: {  	v3 =	vand.u32 $0x7, v3  }
0xb0: {  	v3 =	vor.u32 v3, v4  }
0xb1: {  	v4 =	vperm.xlane v3, v0;
	_ =	sdelay $0x1  }
0xb2: {  	v4 =	vadd.s32 v1, v4;
	_ =	sdelay $0x3  }
0xb3: {  	v3 =	vperm.xlane v3, v2  }
0xb4: {  	[tilespmem:s19], [sflag:$0x2] =	stream.indirect_vreg.gather [hbm4b:s2+s3], $0x80, v4, vm0, $0xb8;
	[tilespmem:$0xC100] =	vst v63  }
0xb5: {  	s22 =	simm.s32 $0x3900;
	v3 =	vadd.s32 v1, v3  }
0xb6: {  	[tilespmem:s22], [sflag:$0x2] =	stream.indirect_vreg.gather [hbm4b:s5+s3], $0x80, v4, vm0, $0xb8;
	[tilespmem:$0xC100] =	vst v63  }
0xb7: {  	s23 =	simm.s32 $0x4100  }
0xb8: {  	[tilespmem:s23], [sflag:$0x2] =	stream.indirect_vreg.gather [hbm4b:s6+s3], $0x80, v4, vm0, $0xb8;
	[tilespmem:$0xC100] =	vst v63  }
0xb9: {  	s23 =	simm.s32 $0x4900  }
0xba: {  	[tilespmem:s23], [sflag:$0x2] =	stream.indirect_vreg.gather [hbm4b:s2+s3], $0x80, v3, vm0, $0xb8;
	[tilespmem:$0xC100] =	vst v63  }
.Ltmp3:
0xbb: {  	_ = 	snop;
	(pc) =	sbr.rel .LBB2_2-.Ltmp3, $4  }
0xbc: {  	s23 =	simm.s32 $0x5100  }
0xbd: {  	[tilespmem:s23], [sflag:$0x2] =	stream.indirect_vreg.gather [hbm4b:s5+s3], $0x80, v3, vm0, $0xb8;
	[tilespmem:$0xC100] =	vst v63  }
0xbe: {  	s21 =	sadd.s32 $0x30000, s21;
	s13 =	sadd.s32 $0x40, s13  }
0xbf: {  	[tilespmem:s24], [sflag:$0x2] =	stream.indirect_vreg.gather [hbm4b:s6+s3], $0x80, v3, vm0, $0xb8;
	[tilespmem:$0xC100] =	vst v63  }
.LBB2_5:
0xc0: {  	_ =	sfence.sel $0x180000  }
0xc1: {  	[bflag:$0x0] =	sbarrier.arrive $0xFFFF  }
0xc2: {  	_ =	strace $0x90000047  }
0xc3: {  	s0 =	stileid.u32;
	[bflag:$0x2] =	sbarrier.arrive $0xFFFF  }
0xc4: {  	p0 =	sne.s32 s0, $0x0;
	s0 =	rddreg [dreg:$0x3]  }
0xc5: {  	s0 =	sadd.s32 @!p0 $0x100000, s0  }
0xc6: {  	[sflag:s0] =	ssyncadd.tile.s32 @!p0 $0x1;
	_ =	shalt  }
.Lfunc_end2:
_tile_overlayer_lowered:
.L_overlay_start_2:
0xc7: {  	(tag) =	ssettag $0x2  }
0xc8: {  	s0 =	rddreg [dreg:$0x0];
	s2 =	stileid.u32  }
0xc9: {  	s1 =	rddreg [dreg:$0x1];
	p0 =	sne.s32 s2, $0x0  }
0xca: {  	s3 =	rddreg [dreg:$0x2];
	[bflag:$0x3] =	sbarrier.arrive $0xFFFF;
	s2 =	simm.s32 @!p0 $0x1C09  }
0xcb: {  	[timem:s3], [sflag:s2] =	dma.local @!p0 [hbm:s0], s1  }
0xcc: {  	s0 =	simm.s32 @!p0 $0x9  }
0xcd: {  	_ =	swait.ge @!p0 [sflag:s0], s1  }
0xce: {  	s1 =	ssub.s32 @!p0 $0x0, s1;
	[sflag:s0] =	ssyncset.done @!p0 $0x0  }
0xcf: {  	[sflag:s0] =	ssyncadd.s32 @!p0 s1  }
0xd0: {  	[bflag:$0x3] =	sbarrier.arrive $0xFFFF  }
0xd1: {  	_ =	shalt  }

// kernel: kernel.9.cloned.1.call-start
scs
__scs_entry_jumppad:
0x0: {  	(pc) =	sbr.rel $0x88, $3  }
0x1: {  	(tag) =	ssettag $0x0;
	lr =	simm.s32 $0x1  }
0x2: {  	[smem:$0x3F9A] =	sst lr;
	_ =	strace $0xD0000000  }
0x3: {  	_ = 	snop  }
0x4: {  	_ = 	snop  }
0x5: {  	_ = 	snop  }
0x6: {  	_ = 	snop  }
0x7: {  	_ = 	snop  }
__scs_overlays_trampoline_lowered:
0x8: {  	[smem:$0x3FA9] =	sst s0  }
0x9: {  	[smem:$0x3FAA] =	sst s1  }
0xa: {  	[smem:$0x3FAB] =	sst s2  }
0xb: {  	[smem:$0x3FAC] =	sst s3  }
0xc: {  	[smem:$0x3FAD] =	sst s4  }
0xd: {  	[smem:$0x3FAE] =	sst s5  }
0xe: {  	[smem:$0x3FAF] =	sst s6  }
0xf: {  	[smem:$0x3FB0] =	sst s7  }
0x10: {  	[smem:$0x3FB1] =	sst s8  }
0x11: {  	[smem:$0x3FB2] =	sst s9;
	s0 =	simm.s32 @!p0 $0x0  }
0x12: {  	s1 =	sld [smem:$0x3F98];
	s0 =	simm.s32 @p0 $0x1  }
0x13: {  	[smem:$0x3FB3] =	sst s0;
	s0 =	simm.s32 @!p1 $0x0  }
0x14: {  	s2 =	sld [smem:$0x3F97];
	s0 =	simm.s32 @p1 $0x1  }
0x15: {  	[smem:$0x3FB4] =	sst s0;
	s0 =	simm.s32 @!p2 $0x0  }
0x16: {  	s3 =	sld [smem:$0x3FDB];
	s0 =	simm.s32 @p2 $0x1  }
0x17: {  	s4 =	simm.s32 $0x1BF5;
	[smem:$0x3FB6] =	sst s0  }
0x18: {  	s0 =	sld [smem:$0x3F99];
	_ =	swait.ge [sflag:s4], $0x0  }
0x19: {  	s7 =	sld [smem:$0x3F9A]  }
0x1a: {  	s8 =	sadd.s32 $0xFFFFE003, lr  }
0x1b: {  	s9 =	sadd.s32 $0xFFFFFEF7, lr;
	s5 =	simm.s32 $0xFFFFFFFF;
	p2 =	slt.u32 s8, $0xFFFFF086  }
0x1c: {  	p1 =	slt.u32 s9, $0xF7A;
	s5 =	simm.s32 @!p2 $0x0  }
0x1d: {  	s5 =	simm.s32 @p1 $0x1;
	p0 =	seq.s32 s7, s2  }
0x1e: {  	s7 =	smul.u32 @!p0 $0xF7A, s2;
	p2 =	seq.s32 @!p0 s5, $0x0  }
0x1f: {  	s9 =	smul.u32 $0xF7A, s1;
	s8 =	simm.s32 @!p0 $0x1BF5;
	p2 =	por !p2, p0  }
0x20: {  	[sflag:s8] =	ssyncset.s32 @!p0 $0xFFFFF086;
	s6 =	sadd.s32 @!p0 s3, s7;
	s7 =	simm.s32 @!p0 $0x108  }
0x21: {  	s3 =	sadd.s32 s3, s9;
	s6 =	sadd.s32 @!p0 $0x88, s6;
	s7 =	simm.s32 @p2 $0x1082  }
0x22: {  	[simem:s7], [sflag:s8] =	dma.local @!p0 [hbm:s6], $0xF7A  }
0x23: {  	s9 =	sor.u32 $0xD0000000, s2;
	s6 =	simm.s32 $0x108;
	_ =	swait.ge @!p0 [sflag:s8], $0x0  }
0x24: {  	s3 =	sadd.s32 $0x88, s3;
	s6 =	simm.s32 @!p1 $0x1082;
	[sflag:s4] =	ssyncset.s32 $0xFFFFF086  }
0x25: {  	[simem:s6], [sflag:s4] =	dma.local [hbm:s3], $0xF7A  }
0x26: {  	[smem:$0x3F9A] =	sst s1;
	(tag) =	ssettag s2;
	_ =	strace s9  }
0x27: {  	s1 =	sld [smem:$0x3FAA]  }
0x28: {  	s2 =	sld [smem:$0x3FAB]  }
0x29: {  	s4 =	sld [smem:$0x3FAD]  }
0x2a: {  	p0 =	seq.s32 s5, $0x0;
	s5 =	sld [smem:$0x3FAE]  }
0x2b: {  	s6 =	sld [smem:$0x3FAF]  }
0x2c: {  	s7 =	sld [smem:$0x3FB0]  }
0x2d: {  	s3 =	simm.s32 $0x108;
	s8 =	sld [smem:$0x3FB1]  }
0x2e: {  	s3 =	simm.s32 @!p0 $0x1082;
	s9 =	sld [smem:$0x3FB2]  }
0x2f: {  	lr =	sadd.s32 s0, s3;
	s0 =	sld [smem:$0x3FA9]  }
0x30: {  	s3 =	sld [smem:$0x3FAC]  }
0x31: {  	[smem:$0x3FB5] =	sst s10  }
0x32: {  	s10 =	sld [smem:$0x3FB3];
	_ =	sdelay $0x3  }
0x33: {  	p0 =	seq.s32 s10, $0x1;
	s10 =	sld [smem:$0x3FB5];
	_ =	sdelay $0x3  }
0x34: {  	[smem:$0x3FB5] =	sst s10  }
0x35: {  	s10 =	sld [smem:$0x3FB4];
	_ =	sdelay $0x3  }
0x36: {  	p1 =	seq.s32 s10, $0x1;
	s10 =	sld [smem:$0x3FB5];
	_ =	sdelay $0x3  }
0x37: {  	[smem:$0x3FB5] =	sst s10  }
0x38: {  	s10 =	sld [smem:$0x3FB6]  }
0x39: {  	_ = 	snop;
	(pc) =	sbr.ind lr, $3  }
0x3a: {  	_ = 	snop  }
0x3b: {  	_ = 	snop  }
0x3c: {  	p2 =	seq.s32 s10, $0x1;
	s10 =	sld [smem:$0x3FB5]  }
0x3d: {  	_ =	shalt  }
0x3e: {  	_ =	shalt  }
0x3f: {  	_ =	shalt  }
0x40: {  	_ =	shalt  }
0x41: {  	_ =	shalt  }
0x42: {  	_ =	shalt  }
0x43: {  	_ =	shalt  }
0x44: {  	_ =	shalt  }
0x45: {  	_ =	shalt  }
0x46: {  	_ =	shalt  }
0x47: {  	_ =	shalt  }
0x48: {  	_ =	shalt  }
0x49: {  	_ =	shalt  }
0x4a: {  	_ =	shalt  }
0x4b: {  	_ =	shalt  }
0x4c: {  	_ =	shalt  }
0x4d: {  	_ =	shalt  }
0x4e: {  	_ =	shalt  }
0x4f: {  	_ =	shalt  }
0x50: {  	_ =	shalt  }
0x51: {  	_ =	shalt  }
0x52: {  	_ =	shalt  }
0x53: {  	_ =	shalt  }
0x54: {  	_ =	shalt  }
0x55: {  	_ =	shalt  }
0x56: {  	_ =	shalt  }
0x57: {  	_ =	shalt  }
0x58: {  	_ =	shalt  }
0x59: {  	_ =	shalt  }
0x5a: {  	_ =	shalt  }
0x5b: {  	_ =	shalt  }
0x5c: {  	_ =	shalt  }
0x5d: {  	_ =	shalt  }
0x5e: {  	_ =	shalt  }
0x5f: {  	_ =	shalt  }
0x60: {  	_ =	shalt  }
0x61: {  	_ =	shalt  }
0x62: {  	_ =	shalt  }
0x63: {  	_ =	shalt  }
0x64: {  	_ =	shalt  }
0x65: {  	_ =	shalt  }
0x66: {  	_ =	shalt  }
0x67: {  	_ =	shalt  }
0x68: {  	_ =	shalt  }
0x69: {  	_ =	shalt  }
0x6a: {  	_ =	shalt  }
0x6b: {  	_ =	shalt  }
0x6c: {  	_ =	shalt  }
0x6d: {  	_ =	shalt  }
0x6e: {  	_ =	shalt  }
0x6f: {  	_ =	shalt  }
0x70: {  	_ =	shalt  }
0x71: {  	_ =	shalt  }
0x72: {  	_ =	shalt  }
0x73: {  	_ =	shalt  }
0x74: {  	_ =	shalt  }
0x75: {  	_ =	shalt  }
0x76: {  	_ =	shalt  }
0x77: {  	_ =	shalt  }
0x78: {  	_ =	shalt  }
0x79: {  	_ =	shalt  }
0x7a: {  	_ =	shalt  }
0x7b: {  	_ =	shalt  }
0x7c: {  	_ =	shalt  }
0x7d: {  	_ =	shalt  }
0x7e: {  	_ =	shalt  }
0x7f: {  	_ =	shalt  }
0x80: {  	_ =	shalt  }
0x81: {  	_ =	shalt  }
0x82: {  	_ =	shalt  }
0x83: {  	_ =	shalt  }
0x84: {  	_ =	shalt  }
0x85: {  	_ =	shalt  }
0x86: {  	_ =	shalt  }
0x87: {  	_ =	shalt  }
.Lfunc_end0:
.L_simem_size_0:
called_computation.1_lowered:
.L_overlay_start_0:
0x88: {  	s2 =	sld [smem:$0x3FD9]  }
0x89: {  	s3 =	sld [smem:$0x3FFE];
	_ =	sdelay $0x1  }
0x8a: {  	s1 =	srdreg.scid  }
0x8b: {  	s0 =	sand.u32 $0x1, s1  }
0x8c: {  	s17 =	sshll.u32 s0, $0xA;
	s2 =	sadd.s32 s3, s2  }
0x8d: {  	s2 =	sadd.s32 s2, s17  }
0x8e: {  	[smem:$0x3FC1] =	sst s2  }
0x8f: {  	_ = 	snop  }
0x90: {  	s18 =	sld [smem:$0x3FC8];
	(tm) =	ssettm $0x1  }
0x91: {  	s19 =	sld [smem:$0x3FFB];
	_ =	sdelay $0x3  }
0x92: {  	_ =	strace s19  }
0x93: {  	s2 =	sld [smem:$0x3FFC];
	_ =	sdelay $0x3  }
0x94: {  	_ =	strace s2  }
0x95: {  	s2 =	sld [smem:$0x3FFD];
	_ =	sdelay $0x3  }
0x96: {  	_ =	strace s2  }
0x97: {  	_ =	strace $0x8FFFFFFF  }
0x98: {  	s20 =	sld [smem:$0x3FDB];
	_ =	sdelay $0x1  }
0x99: {  	s4 =	simm.s32 $_scs_section_size  }
0x9a: {  	s5 =	simm.s32 $_size__tile_overlayer_lowered;
	s6 =	simm.s32 $_tile_overlayer_lowered  }
0x9b: {  	s7 =	simm.s32 $0x1BFF;
	s21 =	sshll.u32 s6, $0x1;
	s4 =	sadd.s32 s4, s20  }
0x9c: {  	s22 =	simm.s32 $0x0;
	s5 =	sshll.u32 s5, $0x1;
	s6 =	sadd.s32 s21, s4  }
0x9d: {  	[timem:s22], [sflag:s7] =	dma.local [hbm:s6], s5  }
0x9e: {  	_ =	swait.ge [sflag:s7], s5  }
0x9f: {  	s5 =	ssub.s32 $0x0, s5;
	[sflag:s7] =	ssyncset.done $0x0  }
0xa0: {  	[sflag:s7] =	ssyncadd.s32 s5;
	_ =	sdelay $0x1  }
0xa1: {  	s23 =	simm.s32 $0x1B8B  }
0xa2: {  	_ =	swait.ge [sflag:s23], $0x1  }
0xa3: {  	[sflag:s23] =	ssyncset.done $0x0  }
0xa4: {  	[sflag:s23] =	ssyncadd.s32 $0xFFFFFFFF  }
0xa5: {  	s5 =	sld [smem:$0x0]  }
0xa6: {  	s6 =	sand.u32 $0xFFFFFFFE, s1  }
0xa7: {  	p0 =	sne.s32 s1, s6  }
0xa8: {  	s6 =	sshll.u32 @p0 s6, $0xE  }
0xa9: {  	s6 =	sadd.s32 @p0 $0x11B8D, s6;
	s7 =	sshll.u32 @p0 s5, $0x11  }
0xaa: {  	s6 =	sor.u32 @p0 s7, s6  }
0xab: {  	[sflag:s6] =	ssyncadd.remote.s32 @p0 $0x1;
	_ =	sdelay $0x1  }
0xac: {  	s6 =	simm.s32 @p0 $0x1B8D  }
0xad: {  	_ =	swait.eq @p0 [sflag:s6], $0x1  }
0xae: {  	[sflag:s6] =	ssyncadd.s32 @p0 $0xFFFFFFFF  }
0xaf: {  	s7 =	sshll.u32 @!p0 s1, $0xE  }
0xb0: {  	s7 =	sor.u32 @!p0 $0x4000, s7;
	s6 =	simm.s32 @!p0 $0x1B8D  }
0xb1: {  	s5 =	sshll.u32 @!p0 s5, $0x11;
	s7 =	sadd.s32 @!p0 $0x11B8D, s7;
	_ =	swait.eq @!p0 [sflag:s6], $0x1  }
0xb2: {  	s5 =	sor.u32 @!p0 s5, s7;
	[sflag:s6] =	ssyncadd.s32 @!p0 $0xFFFFFFFF  }
0xb3: {  	s25 =	simm.s32 $0x1B8E;
	s24 =	sld [smem:$0x3FFE];
	[sflag:s5] =	ssyncadd.remote.s32 @!p0 $0x1  }
0xb4: {  	s26 =	simm.s32 $execute0_lowered;
	[smem:$0x3FD2] =	sst s25  }
0xb5: {  	s6 =	sshll.u32 s26, $0x1;
	_ =	strace $0x80000049;
	[dreg:$0x1] =	wrdreg $0xFFFFFFFF  }
0xb6: {  	s28 =	simm.s32 $_size_execute0_lowered;
	s4 =	sadd.s32 s4, s6;
	[dreg:$0x0] =	wrdreg $0x0  }
0xb7: {  	s6 =	sshll.u32 s28, $0x1;
	[dreg:$0x2] =	wrdreg s4  }
0xb8: {  	[dreg:$0x3] =	wrdreg s6  }
0xb9: {  	[dreg:$0x4] =	wrdreg $0xC0  }
0xba: {  	_ =	task [dreg:s22], $0x5FFFF  }
0xbb: {  	[dreg:$0x1] =	wrdreg $0xFFFFFFFF  }
0xbc: {  	[dreg:$0x0] =	wrdreg $0x60  }
0xbd: {  	[dreg:$0x2] =	wrdreg s24  }
0xbe: {  	[dreg:$0x3] =	wrdreg s18  }
0xbf: {  	[dreg:$0x4] =	wrdreg $0xA  }
0xc0: {  	_ =	task.clear_ibuf [dreg:s22], $0x5FFFF;
	_ =	strace $0x90000049  }
0xc1: {  	s29 =	simm.s32 $0xA;
	_ =	strace $0x8000004B  }
0xc2: {  	_ =	swait.ge [sflag:s29], $0x1  }
0xc3: {  	[sflag:s29] =	ssyncadd.s32 $0xFFFFFFFF  }
0xc4: {  	_ =	strace $0x9000004B  }
0xc5: {  	_ =	sfence  }
0xc6: {  	s30 =	sld [smem:$0x0];
	_ =	sdelay $0x2  }
0xc7: {  	s31 =	sshll.u32 s1, $0xD;
	s1 =	sshrl.u32 s1, $0x2  }
0xc8: {  	s4 =	sand.u32 $0x4000, s31;
	s1 =	sadd.s32 s1, s30  }
0xc9: {  	s0 =	sor.u32 s4, s0;
	s1 =	sshll.u32 s1, $0x11  }
0xca: {  	s0 =	sor.u32 s1, s0  }
0xcb: {  	s0 =	sadd.s32 $0x8F2B, s0  }
0xcc: {  	[sflag:s0] =	ssyncadd.remote.s32 $0x1  }
0xcd: {  	_ =	sfence.sel $0xFFFF  }
0xce: {  	[dreg:$0x0] =	wrdreg $0xFFFFFFFF;
	(pc) =	sbr.abs _section_cstart, $3  }
0xcf: {  	[dreg:$0x1] =	wrdreg $0xFFFFFFFF  }
0xd0: {  	_ =	task.clear_ibuf [dreg:s22], $0x2FFFF;
	_ =	strace $0x9FFFFFFF  }
0xd1: {  	(tm) =	ssettm $0x7FFFFFFF  }
tec
execute0_lowered:
.L_overlay_start_1:
0x0: {  	(tag) =	ssettag $0x1  }
0x1: {  	s0 =	rddreg [dreg:$0x0]  }
0x2: {  	s2 =	rddreg [dreg:$0x1];
	s3 =	simm.s32 $0x0  }
0x3: {  	s1 =	srdreg.scid;
	s5 =	stileid.u32;
	s19 =	simm.s32 $0x3100  }
0x4: {  	s28 =	simm.s32 $0x6900;
	s29 =	simm.s32 $0x7100;
	s30 =	simm.s32 $0x7900  }
0x5: {  	s31 =	simm.s32 $0x8100;
	s14 =	simm.s32 $0x9100;
	s15 =	simm.s32 $0x9900  }
0x6: {  	s16 =	simm.s32 $0xA100;
	s17 =	simm.s32 $0xA900;
	s18 =	simm.s32 $0xB100  }
0x7: {  	s12 =	simm.s32 $0x4;
	s20 =	simm.s32 $0x6;
	[smem:$0x7FF] =	sst s3  }
0x8: {  	s1 =	sand.u32 $0x1, s1;
	s4 =	smul.u32 $0x6000, s5;
	s5 =	sshll.u32 s5, $0x6  }
0x9: {  	s6 =	sshll.u32 s1, $0x5;
	s7 =	smul.u32 $0x3000, s1;
	s1 =	ssub.s32 $0x2, s1  }
0xa: {  	_ =	strace $0x8000004A;
	s5 =	sor.u32 s6, s5;
	s21 =	sshrl.u32 s1, $0x1  }
0xb: {  	s6 =	sadd.s32 $0x200, s2;
	s5 =	sadd.s32 s5, s0;
	s4 =	sadd.s32 s7, s4  }
0xc: {  	s0 =	sadd.s32 $0xC1400, s0;
	s1 =	ssub.s32 s1, s21;
	s7 =	simm.s32 $0x3  }
0xd: {  	s22 =	sadd.s32 $0x60000, s4;
	s5 =	sadd.s32 $0xC1000, s5;
	s1 =	smax.u32 s1, $0x1  }
0xe: {  	s24 =	sshrl.u32 s4, $0x3;
	s25 =	sadd.s32 $0x120000, s4;
	s4 =	sadd.s32 $0xC0000, s4  }
0xf: {  	[dreg:$0x3] =	wrdreg s5;
	s5 =	sadd.s32 $0x100, s2;
	s23 =	sshrl.u32 s22, $0x3  }
.Ltmp0:
0x10: {  	[dreg:$0x4] =	wrdreg s1;
	s9 =	sadd.s32 s24, s0;
	(pc) =	sbr.rel .LBB2_1-.Ltmp0, $4  }
0x11: {  	s26 =	sshrl.u32 s25, $0x3;
	s4 =	sshrl.u32 s4, $0x3;
	s24 =	simm.s32 $0x5900  }
0x12: {  	v2 =	vlaneseq.u32;
	s25 =	simm.s32 $0x1;
	s1 =	simm.s32 $0x2;
	s22 =	simm.s32 $0x0  }
0x13: {  	vm0 =	vmmov $0xffff;
	v1 =	vshrl.u32 v2, $0x3;
	s8 =	sadd.s32 s23, s0;
	s10 =	sadd.s32 s26, s0;
	s11 =	sadd.s32 s4, s0  }
0x14: {  	v0 =	vand.u32 $0x7, v2;
	v2 =	vor.u32 $0x8, v2;
	v1 =	vmul.u32 $0x8, v1;
	s26 =	simm.s32 $0x6100;
	s0 =	simm.s32 $0x8900;
	s4 =	simm.s32 $0xB900  }
.LBB2_4:
0x15: {  	s13 =	simm.s32 $0x5  }
0x16: {  	_ =	swait.ge [sflag:s13], $0x3000  }
0x17: {  	[sflag:s13] =	ssyncset.done $0x0  }
0x18: {  	[sflag:s13] =	ssyncadd.s32 $0xFFFFD000  }
0x19: {  	_ =	swait.ge [sflag:s20], $0x3000  }
0x1a: {  	[sflag:s20] =	ssyncset.done $0x0  }
0x1b: {  	s22 =	simm.s32 $0x7;
	[sflag:s20] =	ssyncadd.s32 $0xFFFFD000  }
0x1c: {  	_ =	swait.ge [sflag:s22], $0x3000  }
0x1d: {  	[sflag:s22] =	ssyncset.done $0x0  }
0x1e: {  	s21 =	simm.s32 $0x8;
	[sflag:s22] =	ssyncadd.s32 $0xFFFFD000  }
0x1f: {  	_ =	swait.ge [sflag:s21], $0x3000  }
0x20: {  	s22 =	rddreg [dreg:$0x5]  }
0x21: {  	s23 =	rddreg [dreg:$0x4];
	s22 =	sadd.s32 $0x1, s22  }
0x22: {  	p0 =	sne.s32 s22, s23  }
.Ltmp1:
0x23: {  	_ = 	snop;
	(pc) =	sbr.rel @!p0 .LBB2_5-.Ltmp1, $3  }
0x24: {  	_ =	sdelay $0x1  }
0x25: {  	[sflag:s21] =	ssyncset.done $0x0  }
0x26: {  	[sflag:s21] =	ssyncadd.s32 $0xFFFFD000  }
.LBB2_1:
0x27: {  	[dreg:$0x5] =	wrdreg s22  }
0x28: {  	s13 =	rddreg [dreg:$0x3];
	s22 =	simm.s32 $0x9  }
0x29: {  	[tilespmem:s3], [sflag:$0x9] =	stream.linear.gather [hbm4b:s13+s3], $0x100, $0x38;
	[tilespmem:$0xC100] =	vst v63  }
0x2a: {  	_ =	swait.ge [sflag:s22], $0x100  }
0x2b: {  	[sflag:s22] =	ssyncset.done $0x0  }
0x2c: {  	[sflag:s22] =	ssyncadd.s32 $0xFFFFFF00  }
0x2d: {  	v3 =	vld [tilespmem:$0x0];
	_ =	sdelay $0x4  }
0x2e: {  	v4 =	vshrl.u32 v3, $0x3  }
0x2f: {  	v4 =	vmul.u32 $0x30, v4  }
0x30: {  	v3 =	vand.u32 $0x7, v3  }
0x31: {  	v3 =	vor.u32 v3, v4  }
0x32: {  	v4 =	vperm.xlane v3, v0;
	_ =	sdelay $0x1  }
0x33: {  	v4 =	vadd.s32 v1, v4;
	_ =	sdelay $0x3  }
0x34: {  	s23 =	simm.s32 $0x100;
	v3 =	vperm.xlane v3, v2  }
0x35: {  	[tilespmem:s23], [sflag:$0x1] =	stream.indirect_vreg.gather [hbm4b:s2+s3], $0x80, v4, vm0, $0xb8;
	[tilespmem:$0xC100] =	vst v63  }
0x36: {  	s21 =	simm.s32 $0x900;
	v3 =	vadd.s32 v1, v3  }
0x37: {  	[tilespmem:s21], [sflag:$0x1] =	stream.indirect_vreg.gather [hbm4b:s5+s3], $0x80, v4, vm0, $0xb8;
	[tilespmem:$0xC100] =	vst v63  }
0x38: {  	s22 =	simm.s32 $0x1100  }
0x39: {  	[tilespmem:s22], [sflag:$0x1] =	stream.indirect_vreg.gather [hbm4b:s6+s3], $0x80, v4, vm0, $0xb8;
	[tilespmem:$0xC100] =	vst v63  }
0x3a: {  	s23 =	simm.s32 $0x1900  }
0x3b: {  	[tilespmem:s23], [sflag:$0x1] =	stream.indirect_vreg.gather [hbm4b:s2+s3], $0x80, v3, vm0, $0xb8;
	[tilespmem:$0xC100] =	vst v63  }
0x3c: {  	s21 =	simm.s32 $0x2100  }
0x3d: {  	[tilespmem:s21], [sflag:$0x1] =	stream.indirect_vreg.gather [hbm4b:s5+s3], $0x80, v3, vm0, $0xb8;
	[tilespmem:$0xC100] =	vst v63  }
0x3e: {  	s22 =	simm.s32 $0x2900  }
0x3f: {  	[tilespmem:s22], [sflag:$0x1] =	stream.indirect_vreg.gather [hbm4b:s6+s3], $0x80, v3, vm0, $0xb8;
	[tilespmem:$0xC100] =	vst v63  }
0x40: {  	v3 =	vld [tilespmem:$0x10];
	_ =	sdelay $0x4  }
0x41: {  	v63 =	vshrl.u32 v3, $0x3  }
0x42: {  	v4 =	vmul.u32 $0x30, v63  }
0x43: {  	v3 =	vand.u32 $0x7, v3  }
0x44: {  	v3 =	vor.u32 v3, v4  }
0x45: {  	v4 =	vperm.xlane v3, v0;
	_ =	sdelay $0x1  }
0x46: {  	v4 =	vadd.s32 v1, v4;
	_ =	sdelay $0x3  }
0x47: {  	v3 =	vperm.xlane v3, v2  }
0x48: {  	[tilespmem:s19], [sflag:$0x2] =	stream.indirect_vreg.gather [hbm4b:s2+s3], $0x80, v4, vm0, $0xb8;
	[tilespmem:$0xC100] =	vst v63  }
0x49: {  	s23 =	simm.s32 $0x3900;
	v3 =	vadd.s32 v1, v3  }
0x4a: {  	[tilespmem:s23], [sflag:$0x2] =	stream.indirect_vreg.gather [hbm4b:s5+s3], $0x80, v4, vm0, $0xb8;
	[tilespmem:$0xC100] =	vst v63  }
0x4b: {  	s21 =	simm.s32 $0x4100  }
0x4c: {  	[tilespmem:s21], [sflag:$0x2] =	stream.indirect_vreg.gather [hbm4b:s6+s3], $0x80, v4, vm0, $0xb8;
	[tilespmem:$0xC100] =	vst v63  }
0x4d: {  	s22 =	simm.s32 $0x4900  }
0x4e: {  	[tilespmem:s22], [sflag:$0x2] =	stream.indirect_vreg.gather [hbm4b:s2+s3], $0x80, v3, vm0, $0xb8;
	[tilespmem:$0xC100] =	vst v63  }
0x4f: {  	s23 =	simm.s32 $0x5100  }
0x50: {  	[tilespmem:s23], [sflag:$0x2] =	stream.indirect_vreg.gather [hbm4b:s5+s3], $0x80, v3, vm0, $0xb8;
	[tilespmem:$0xC100] =	vst v63  }
0x51: {  	s13 =	simm.s32 $0x30;
	s21 =	simm.s32 $0x0  }
0x52: {  	[tilespmem:s24], [sflag:$0x2] =	stream.indirect_vreg.gather [hbm4b:s6+s3], $0x80, v3, vm0, $0xb8;
	[tilespmem:$0xC100] =	vst v63  }
.LBB2_2:
0x53: {  	_ =	swait.ge [sflag:s25], $0x3000  }
0x54: {  	s22 =	sadd.s32 s21, s9;
	[sflag:s25] =	ssyncset.done $0x0  }
0x55: {  	s23 =	simm.s32 $0x100;
	p0 =	seq.s32 s21, $0x0;
	[sflag:s25] =	ssyncadd.s32 $0xFFFFD000  }
0x56: {  	[hbm4b:s22+s3] =	stream.linear.scatter [tilespmem:s23], [sflag:$0x5], $0x3000, $0x38;
	[tilespmem:$0xC100] =	vst v63  }
0x57: {  	s22 =	simm.s32 @!p0 $0x7  }
0x58: {  	_ =	swait.ge @!p0 [sflag:s22], $0x3000  }
0x59: {  	[sflag:s22] =	ssyncset.done @!p0 $0x0  }
0x5a: {  	[sflag:s22] =	ssyncadd.s32 @!p0 $0xFFFFD000  }
0x5b: {  	v3 =	vld [tilespmem:s13+$0xFFFFFFF0];
	_ =	sdelay $0x4  }
0x5c: {  	v4 =	vshrl.u32 v3, $0x3  }
0x5d: {  	v4 =	vmul.u32 $0x30, v4  }
0x5e: {  	v3 =	vand.u32 $0x7, v3  }
0x5f: {  	v3 =	vor.u32 v3, v4  }
0x60: {  	v4 =	vperm.xlane v3, v0;
	_ =	sdelay $0x1  }
0x61: {  	v4 =	vadd.s32 v1, v4;
	_ =	sdelay $0x3  }
0x62: {  	v3 =	vperm.xlane v3, v2  }
0x63: {  	[tilespmem:s26], [sflag:$0x3] =	stream.indirect_vreg.gather [hbm4b:s2+s3], $0x80, v4, vm0, $0xb8;
	[tilespmem:$0xC100] =	vst v63  }
0x64: {  	v3 =	vadd.s32 v1, v3  }
0x65: {  	[tilespmem:s28], [sflag:$0x3] =	stream.indirect_vreg.gather [hbm4b:s5+s3], $0x80, v4, vm0, $0xb8;
	[tilespmem:$0xC100] =	vst v63  }
0x66: {  	_ = 	snop  }
0x67: {  	[tilespmem:s29], [sflag:$0x3] =	stream.indirect_vreg.gather [hbm4b:s6+s3], $0x80, v4, vm0, $0xb8;
	[tilespmem:$0xC100] =	vst v63  }
0x68: {  	_ = 	snop  }
0x69: {  	[tilespmem:s30], [sflag:$0x3] =	stream.indirect_vreg.gather [hbm4b:s2+s3], $0x80, v3, vm0, $0xb8;
	[tilespmem:$0xC100] =	vst v63  }
0x6a: {  	_ = 	snop  }
0x6b: {  	[tilespmem:s31], [sflag:$0x3] =	stream.indirect_vreg.gather [hbm4b:s5+s3], $0x80, v3, vm0, $0xb8;
	[tilespmem:$0xC100] =	vst v63  }
0x6c: {  	_ = 	snop  }
0x6d: {  	[tilespmem:s0], [sflag:$0x3] =	stream.indirect_vreg.gather [hbm4b:s6+s3], $0x80, v3, vm0, $0xb8;
	[tilespmem:$0xC100] =	vst v63  }
0x6e: {  	_ =	swait.ge [sflag:s1], $0x3000  }
0x6f: {  	[sflag:s1] =	ssyncset.done $0x0  }
0x70: {  	s23 =	sadd.s32 s21, s8;
	s22 =	simm.s32 @!p0 $0x8;
	[sflag:s1] =	ssyncadd.s32 $0xFFFFD000  }
0x71: {  	[hbm4b:s23+s3] =	stream.linear.scatter [tilespmem:s19], [sflag:$0x6], $0x3000, $0x38;
	[tilespmem:$0xC100] =	vst v63  }
0x72: {  	_ =	swait.ge @!p0 [sflag:s22], $0x3000  }
0x73: {  	[sflag:s22] =	ssyncset.done @!p0 $0x0  }
0x74: {  	[sflag:s22] =	ssyncadd.s32 @!p0 $0xFFFFD000  }
0x75: {  	v3 =	vld [tilespmem:s13+$0x0];
	_ =	sdelay $0x4  }
0x76: {  	v63 =	vshrl.u32 v3, $0x3  }
0x77: {  	v4 =	vmul.u32 $0x30, v63  }
0x78: {  	v3 =	vand.u32 $0x7, v3  }
0x79: {  	v3 =	vor.u32 v3, v4  }
0x7a: {  	v4 =	vperm.xlane v3, v0;
	_ =	sdelay $0x1  }
0x7b: {  	v4 =	vadd.s32 v1, v4;
	_ =	sdelay $0x3  }
0x7c: {  	v3 =	vperm.xlane v3, v2  }
0x7d: {  	[tilespmem:s14], [sflag:$0x4] =	stream.indirect_vreg.gather [hbm4b:s2+s3], $0x80, v4, vm0, $0xb8;
	[tilespmem:$0xC100] =	vst v63  }
0x7e: {  	v3 =	vadd.s32 v1, v3  }
0x7f: {  	[tilespmem:s15], [sflag:$0x4] =	stream.indirect_vreg.gather [hbm4b:s5+s3], $0x80, v4, vm0, $0xb8;
	[tilespmem:$0xC100] =	vst v63  }
0x80: {  	_ = 	snop  }
0x81: {  	[tilespmem:s16], [sflag:$0x4] =	stream.indirect_vreg.gather [hbm4b:s6+s3], $0x80, v4, vm0, $0xb8;
	[tilespmem:$0xC100] =	vst v63  }
0x82: {  	_ = 	snop  }
0x83: {  	[tilespmem:s17], [sflag:$0x4] =	stream.indirect_vreg.gather [hbm4b:s2+s3], $0x80, v3, vm0, $0xb8;
	[tilespmem:$0xC100] =	vst v63  }
0x84: {  	_ = 	snop  }
0x85: {  	[tilespmem:s18], [sflag:$0x4] =	stream.indirect_vreg.gather [hbm4b:s5+s3], $0x80, v3, vm0, $0xb8;
	[tilespmem:$0xC100] =	vst v63  }
0x86: {  	_ = 	snop  }
0x87: {  	[tilespmem:s4], [sflag:$0x4] =	stream.indirect_vreg.gather [hbm4b:s6+s3], $0x80, v3, vm0, $0xb8;
	[tilespmem:$0xC100] =	vst v63  }
0x88: {  	_ =	swait.ge [sflag:s7], $0x3000  }
0x89: {  	p0 =	seq.s32 s21, $0x90000;
	[sflag:s7] =	ssyncset.done $0x0  }
0x8a: {  	s23 =	sadd.s32 s21, s11;
	s22 =	simm.s32 @!p0 $0x5;
	[sflag:s7] =	ssyncadd.s32 $0xFFFFD000  }
0x8b: {  	[hbm4b:s23+s3] =	stream.linear.scatter [tilespmem:s26], [sflag:$0x7], $0x3000, $0x38;
	[tilespmem:$0xC100] =	vst v63  }
0x8c: {  	_ =	swait.ge @!p0 [sflag:s22], $0x3000  }
0x8d: {  	[sflag:s22] =	ssyncset.done @!p0 $0x0  }
0x8e: {  	[sflag:s22] =	ssyncadd.s32 @!p0 $0xFFFFD000  }
0x8f: {  	v3 =	vld @!p0 [tilespmem:s13+$0x10];
	_ =	sdelay $0x4  }
0x90: {  	v4 =	vshrl.u32 @!p0 v3, $0x3  }
0x91: {  	v4 =	vmul.u32 @!p0 $0x30, v4  }
0x92: {  	v5 =	vlaneseq.u32 @!p0;
	v3 =	vand.u32 @!p0 $0x7, v3  }
0x93: {  	v6 =	vshrl.u32 @!p0 v5, $0x3;
	v3 =	vor.u32 @!p0 v3, v4;
	v4 =	vand.u32 @!p0 $0x7, v5  }
0x94: {  	v6 =	vmul.u32 @!p0 $0x8, v6;
	v4 =	vperm.xlane @!p0 v3, v4;
	_ =	sdelay $0x1  }
0x95: {  	v4 =	vadd.s32 @!p0 v6, v4;
	_ =	sdelay $0x2  }
0x96: {  	v5 =	vor.u32 @!p0 $0x8, v5  }
0x97: {  	vm1 =	vmmov @!p0 $0xffff;
	s23 =	simm.s32 @!p0 $0x100;
	s22 =	simm.s32 @!p0 $0x0;
	v3 =	vperm.xlane @!p0 v3, v5  }
0x98: {  	[tilespmem:s23], [sflag:$0x1] =	stream.indirect_vreg.gather @!p0 [hbm4b:s2+s22], $0x80, v4, vm1, $0xb8;
	[tilespmem:$0xC100] =	vst v63  }
0x99: {  	v3 =	vadd.s32 @!p0 v6, v3;
	s23 =	simm.s32 @!p0 $0x900  }
0x9a: {  	[tilespmem:s23], [sflag:$0x1] =	stream.indirect_vreg.gather @!p0 [hbm4b:s5+s22], $0x80, v4, vm1, $0xb8;
	[tilespmem:$0xC100] =	vst v63  }
0x9b: {  	s23 =	simm.s32 @!p0 $0x1100  }
0x9c: {  	[tilespmem:s23], [sflag:$0x1] =	stream.indirect_vreg.gather @!p0 [hbm4b:s6+s22], $0x80, v4, vm1, $0xb8;
	[tilespmem:$0xC100] =	vst v63  }
0x9d: {  	s23 =	simm.s32 @!p0 $0x1900  }
0x9e: {  	[tilespmem:s23], [sflag:$0x1] =	stream.indirect_vreg.gather @!p0 [hbm4b:s2+s22], $0x80, v3, vm1, $0xb8;
	[tilespmem:$0xC100] =	vst v63  }
0x9f: {  	s23 =	simm.s32 @!p0 $0x2100  }
0xa0: {  	[tilespmem:s23], [sflag:$0x1] =	stream.indirect_vreg.gather @!p0 [hbm4b:s5+s22], $0x80, v3, vm1, $0xb8;
	[tilespmem:$0xC100] =	vst v63  }
0xa1: {  	s23 =	simm.s32 @!p0 $0x2900  }
0xa2: {  	[tilespmem:s23], [sflag:$0x1] =	stream.indirect_vreg.gather @!p0 [hbm4b:s6+s22], $0x80, v3, vm1, $0xb8;
	[tilespmem:$0xC100] =	vst v63  }
.Ltmp2:
0xa3: {  	_ = 	snop;
	(pc) =	sbr.rel @p0 .LBB2_4-.Ltmp2, $4  }
0xa4: {  	_ =	swait.ge [sflag:s12], $0x3000  }
0xa5: {  	[sflag:s12] =	ssyncset.done $0x0  }
0xa6: {  	s23 =	sadd.s32 s21, s10;
	[sflag:s12] =	ssyncadd.s32 $0xFFFFD000  }
0xa7: {  	[hbm4b:s23+s3] =	stream.linear.scatter [tilespmem:s14], [sflag:$0x8], $0x3000, $0x38;
	[tilespmem:$0xC100] =	vst v63  }
0xa8: {  	_ =	swait.ge [sflag:s20], $0x3000  }
0xa9: {  	[sflag:s20] =	ssyncset.done $0x0  }
0xaa: {  	[sflag:s20] =	ssyncadd.s32 $0xFFFFD000  }
0xab: {  	v3 =	vld [tilespmem:s13+$0x20];
	_ =	sdelay $0x4  }
0xac: {  	v4 =	vshrl.u32 v3, $0x3  }
0xad: {  	v4 =	vmul.u32 $0x30, v4  }
0xae: {  	v3 =	vand.u32 $0x7, v3  }
0xaf: {  	v3 =	vor.u32 v3, v4  }
0xb0: {  	v4 =	vperm.xlane v3, v0;
	_ =	sdelay $0x1  }
0xb1: {  	v4 =	vadd.s32 v1, v4;
	_ =	sdelay $0x3  }
0xb2: {  	v3 =	vperm.xlane v3, v2  }
0xb3: {  	[tilespmem:s19], [sflag:$0x2] =	stream.indirect_vreg.gather [hbm4b:s2+s3], $0x80, v4, vm0, $0xb8;
	[tilespmem:$0xC100] =	vst v63  }
0xb4: {  	s22 =	simm.s32 $0x3900;
	v3 =	vadd.s32 v1, v3  }
0xb5: {  	[tilespmem:s22], [sflag:$0x2] =	stream.indirect_vreg.gather [hbm4b:s5+s3], $0x80, v4, vm0, $0xb8;
	[tilespmem:$0xC100] =	vst v63  }
0xb6: {  	s23 =	simm.s32 $0x4100  }
0xb7: {  	[tilespmem:s23], [sflag:$0x2] =	stream.indirect_vreg.gather [hbm4b:s6+s3], $0x80, v4, vm0, $0xb8;
	[tilespmem:$0xC100] =	vst v63  }
0xb8: {  	s23 =	simm.s32 $0x4900  }
0xb9: {  	[tilespmem:s23], [sflag:$0x2] =	stream.indirect_vreg.gather [hbm4b:s2+s3], $0x80, v3, vm0, $0xb8;
	[tilespmem:$0xC100] =	vst v63  }
.Ltmp3:
0xba: {  	_ = 	snop;
	(pc) =	sbr.rel .LBB2_2-.Ltmp3, $4  }
0xbb: {  	s23 =	simm.s32 $0x5100  }
0xbc: {  	[tilespmem:s23], [sflag:$0x2] =	stream.indirect_vreg.gather [hbm4b:s5+s3], $0x80, v3, vm0, $0xb8;
	[tilespmem:$0xC100] =	vst v63  }
0xbd: {  	s21 =	sadd.s32 $0x30000, s21;
	s13 =	sadd.s32 $0x40, s13  }
0xbe: {  	[tilespmem:s24], [sflag:$0x2] =	stream.indirect_vreg.gather [hbm4b:s6+s3], $0x80, v3, vm0, $0xb8;
	[tilespmem:$0xC100] =	vst v63  }
.LBB2_5:
0xbf: {  	_ =	sfence.sel $0x180000  }
0xc0: {  	[bflag:$0x0] =	sbarrier.arrive $0xFFFF  }
0xc1: {  	_ =	strace $0x9000004A  }
0xc2: {  	s0 =	stileid.u32;
	[bflag:$0x2] =	sbarrier.arrive $0xFFFF  }
0xc3: {  	p0 =	sne.s32 s0, $0x0;
	s0 =	rddreg [dreg:$0x2]  }
0xc4: {  	s0 =	sadd.s32 @!p0 $0x100000, s0  }
0xc5: {  	[sflag:s0] =	ssyncadd.tile.s32 @!p0 $0x1;
	_ =	shalt  }
.Lfunc_end2:
_tile_overlayer_lowered:
.L_overlay_start_2:
0xc6: {  	(tag) =	ssettag $0x2  }
0xc7: {  	s0 =	rddreg [dreg:$0x0];
	s2 =	stileid.u32  }
0xc8: {  	s1 =	rddreg [dreg:$0x1];
	p0 =	sne.s32 s2, $0x0  }
0xc9: {  	s3 =	rddreg [dreg:$0x2];
	[bflag:$0x3] =	sbarrier.arrive $0xFFFF;
	s2 =	simm.s32 @!p0 $0x1C09  }
0xca: {  	[timem:s3], [sflag:s2] =	dma.local @!p0 [hbm:s0], s1  }
0xcb: {  	s0 =	simm.s32 @!p0 $0x9  }
0xcc: {  	_ =	swait.ge @!p0 [sflag:s0], s1  }
0xcd: {  	s1 =	ssub.s32 @!p0 $0x0, s1;
	[sflag:s0] =	ssyncset.done @!p0 $0x0  }
0xce: {  	[sflag:s0] =	ssyncadd.s32 @!p0 s1  }
0xcf: {  	[bflag:$0x3] =	sbarrier.arrive $0xFFFF  }
0xd0: {  	_ =	shalt  }

</sc_bundles>
